<compile_context>
chip_gen: v7x
topology: tpu7x:2x2x1
jax: 0.10.2.dev20260603
libtpu: 0.0.44.dev20260713+nightly
codegen_flags: <defaults>
</compile_context>

<pallas_src>
import functools

import jax
import jax.numpy as jnp
from jax.experimental import pallas as pl
from jax.experimental.pallas import tpu as pltpu
from jax.experimental.pallas import tpu_sc as plsc

_HK = 8
_LOOK = 8
_SLOTS = _LOOK + 1
_B_SC = 16
_CC = 104
_NC = 3


def _cbl_body(pred_hbm, tgt_hbm, out_ref, pbuf, tbuf, psem, tsem, *, nh):
    i = pl.program_id(0)
    n = pl.num_programs(0)

    def issue(step, slot):
        b = step // nh
        h0 = (step % nh) * _HK
        pltpu.make_async_copy(
            pred_hbm.at[b, :, pl.ds(h0, _HK), :], pbuf.at[slot], psem.at[slot]
        ).start(priority=0)
        pltpu.make_async_copy(
            tgt_hbm.at[b, :, pl.ds(h0, _HK), :], tbuf.at[slot], tsem.at[slot]
        ).start(priority=1)

    @pl.when(i == 0)
    def _():
        for j in range(_LOOK):
            issue(j, j % _SLOTS)

    @pl.when(i + _LOOK < n)
    def _():
        issue(i + _LOOK, (i + _LOOK) % _SLOTS)

    slot = i % _SLOTS
    b = i // nh
    h0 = (i % nh) * _HK
    pltpu.make_async_copy(
        pred_hbm.at[b, :, pl.ds(h0, _HK), :], pbuf.at[slot], psem.at[slot]
    ).wait()
    pltpu.make_async_copy(
        tgt_hbm.at[b, :, pl.ds(h0, _HK), :], tbuf.at[slot], tsem.at[slot]
    ).wait()

    x = pbuf[slot]
    t = tbuf[slot]
    s = jnp.sum(jnp.exp(x), axis=0)
    tsum = jnp.sum(t, axis=0)
    tpsum = jnp.sum(t * x, axis=0)
    part = jnp.sum(jnp.log(s) * tsum - tpsum)

    @pl.when(i == 0)
    def _():
        out_ref[0, 0] = 0.0

    out_ref[0, 0] += part


def _tc_partial(predv, targetv, b_tc):
    B, C, HP, WP = predv.shape
    nh = HP // _HK
    body = functools.partial(_cbl_body, nh=nh)
    total = pl.pallas_call(
        body,
        grid=(b_tc * nh,),
        in_specs=[
            pl.BlockSpec(memory_space=pl.ANY),
            pl.BlockSpec(memory_space=pl.ANY),
        ],
        out_specs=pl.BlockSpec(memory_space=pltpu.SMEM),
        out_shape=jax.ShapeDtypeStruct((1, 1), jnp.float32),
        scratch_shapes=[
            pltpu.VMEM((_SLOTS, C, _HK, WP), jnp.float32),
            pltpu.VMEM((_SLOTS, C, _HK, WP), jnp.float32),
            pltpu.SemaphoreType.DMA((_SLOTS,)),
            pltpu.SemaphoreType.DMA((_SLOTS,)),
        ],
    )(predv, targetv)
    return total[0, 0]


def _sc_partial_planes(predw, targetw):
    B, C, HP, WP = predw.shape
    b_off = B - _B_SC
    mesh = plsc.VectorSubcoreMesh(core_axis_name="c", subcore_axis_name="s")

    @pl.kernel(
        out_type=jax.ShapeDtypeStruct((_B_SC, 3, HP, WP), jnp.float32),
        mesh=mesh,
    )
    def sck(pred_hbm, tgt_hbm, out_hbm):
        def body(idxs, x_ref, t_ref, o_ref):
            cchunk = idxs[2]
            sl = pl.ds(0, 16)

            @pl.when(cchunk == 0)
            def _():
                zero = jnp.zeros((16,), jnp.float32)
                o_ref[0, 0, 0, sl] = zero
                o_ref[0, 1, 0, sl] = zero
                o_ref[0, 2, 0, sl] = zero

            @pl.loop(0, _CC)
            def _(c):
                x = x_ref[0, c, 0, sl]
                t = t_ref[0, c, 0, sl]
                o_ref[0, 0, 0, sl] += jnp.exp(x)
                o_ref[0, 1, 0, sl] += t
                o_ref[0, 2, 0, sl] += t * x

        pltpu.emit_pipeline(
            body,
            grid=(_B_SC, HP, _NC),
            in_specs=[
                pl.BlockSpec((1, _CC, 1, 16), lambda b, r, k: (b + b_off, k, r, 0)),
                pl.BlockSpec((1, _CC, 1, 16), lambda b, r, k: (b + b_off, k, r, 0)),
            ],
            out_specs=[
                pl.BlockSpec((1, 3, 1, 16), lambda b, r, k: (b, 0, r, 0)),
            ],
            core_axis_name=("c", "s"),
            dimension_semantics=(pltpu.PARALLEL, pltpu.PARALLEL, pltpu.ARBITRARY),
            _explicit_indices=True,
        )(pred_hbm, tgt_hbm, out_hbm)

    return sck(predw, targetw)


def _fin_body(o_ref, xl_ref, tl_ref, out_ref):
    s = o_ref[:, 0] + jnp.exp(xl_ref[:, 0])
    tsum = o_ref[:, 1] + tl_ref[:, 0]
    tpsum = o_ref[:, 2] + tl_ref[:, 0] * xl_ref[:, 0]
    out_ref[0, 0] = jnp.sum(jnp.log(s) * tsum - tpsum)


def _sc_finish(planes, predv, targetv, c_last, b_off):
    B, C, HP, WP = predv.shape
    planes4 = planes.reshape(_B_SC, 3, HP, WP)
    total = pl.pallas_call(
        _fin_body,
        grid=(1,),
        in_specs=[
            pl.BlockSpec((_B_SC, 3, HP, WP), lambda i: (0, 0, 0, 0)),
            pl.BlockSpec((_B_SC, 1, HP, WP), lambda i: (b_off // _B_SC, c_last, 0, 0)),
            pl.BlockSpec((_B_SC, 1, HP, WP), lambda i: (b_off // _B_SC, c_last, 0, 0)),
        ],
        out_specs=pl.BlockSpec(memory_space=pltpu.SMEM),
        out_shape=jax.ShapeDtypeStruct((1, 1), jnp.float32),
    )(planes4, predv, targetv)
    return total[0, 0]


def kernel(pred, target):
    B, C, H, W = pred.shape
    HP, WP = (H * W) // 128, 128
    predv = pred.reshape(B, C, HP, WP)
    targetv = target.reshape(B, C, HP, WP)
    predw = pred.reshape(B, C, (H * W) // 16, 16)
    targetw = target.reshape(B, C, (H * W) // 16, 16)
    planes = _sc_partial_planes(predw, targetw)
    part_tc = _tc_partial(predv, targetv, B - _B_SC)
    part_sc = _sc_finish(planes, predv, targetv, C - 1, B - _B_SC)
    return (part_tc + part_sc) / (B * H * W)

# --- scband reference (transcript-rebuilt; emitter-appended) ---
"""Pipeline reference for scband-class-balanced-loss-68994354643083 (READ-ONLY COPY).

The authoritative reference and input builder live on the scoring server;
editing this copy changes nothing except your own understanding.
"""

import jax, jax.numpy as jnp
import numpy as np


def setup_inputs(seed: int = 0) -> dict:
    key = jax.random.key(seed)
    k1, k2 = jax.random.split(key)
    pred = jax.random.normal(k1, (64, 313, 64, 64), dtype=jnp.float32)
    target = jax.random.uniform(k2, (64, 313, 64, 64), dtype=jnp.float32)
    return {"pred": pred, "target": target}


def reference(pred, target):
    # softmax over class dim (dim=1), log, weighted negative log-likelihood, mean
    p = jax.nn.softmax(pred, axis=1)
    logp = jnp.log(p)
    loss = -1.0 * jnp.sum(target * logp, axis=1)
    return jnp.mean(loss)

if __name__ == "__main__":
    import jax
    _d = setup_inputs()
    print(jax.jit(kernel)(*tuple(_d.values())))

</pallas_src>

<mosaic_0001>
#map = affine_map<(d0, d1) -> (0, 0, 0, 0)>
module attributes {stable_mosaic.version = 14 : i64} {
  func.func @sck(%arg0: i32, %arg1: i32, %arg2: memref<64x313x256x16xf32, #tpu.memory_space<hbm>>, %arg3: memref<64x313x256x16xf32, #tpu.memory_space<hbm>>, %arg4: memref<16x3x256x16xf32, #tpu.memory_space<hbm>>) attributes {dimension_semantics = [#tpu.dimension_semantics<core_parallel>, #tpu.dimension_semantics<subcore_parallel>], iteration_bounds = array<i64: 2, 16>, scalar_prefetch = 0 : i64, scratch_operands = 0 : i64, tpu.core_type = #tpu.core_type<sc_vector_subcore>, window_params = [{transform_indices = #map}, {transform_indices = #map}, {transform_indices = #map}]} {
    %mul3A = arith.constant 1 : i32
    %mul3A_0 = arith.muli %arg1, %mul3A : i32
    %add3A = arith.constant 0 : i32
    %add3A_1 = arith.addi %add3A, %mul3A_0 : i32
    %mul3A_2 = arith.constant 16 : i32
    %mul3A_3 = arith.muli %arg0, %mul3A_2 : i32
    %add3A_4 = arith.addi %add3A_1, %mul3A_3 : i32
    %mul3A_5 = arith.constant 8 : i32
    %mul3A_6 = arith.muli %add3A_4, %mul3A_5 : i32
    "tpu.region"() ({
      %run_scoped3A = memref.alloca() : memref<2x1x104x1x16xf32, #tpu.memory_space<vmem>>
      %run_scoped3A_7 = tpu.sem_alloc : memref<2x!tpu.dma_semaphore, #tpu.memory_space<semaphore_mem>>
      %run_scoped3A_8 = memref.alloca() : memref<2x1x104x1x16xf32, #tpu.memory_space<vmem>>
      %run_scoped3A_9 = tpu.sem_alloc : memref<2x!tpu.dma_semaphore, #tpu.memory_space<semaphore_mem>>
      %run_scoped3A_10 = memref.alloca() : memref<2x1x3x1x16xf32, #tpu.memory_space<vmem>>
      %run_scoped3A_11 = tpu.sem_alloc : memref<2x!tpu.dma_semaphore, #tpu.memory_space<semaphore_mem>>
      %add3A_12 = arith.constant 0 : i32
      %add3A_13 = arith.addi %add3A_12, %mul3A_6 : i32
      %select_n3A = arith.constant true
      %select_n3A_14 = arith.constant 0 : i32
      %select_n3A_15 = arith.constant -1 : i32
      %select_n3A_16 = arith.select %select_n3A, %select_n3A_15, %select_n3A_14 : i32
      %eq3A = arith.constant -1 : i32
      %eq3A_17 = arith.cmpi eq, %select_n3A_16, %eq3A : i32
      %select_n3A_18 = arith.constant 2 : i32
      %select_n3A_19 = arith.select %eq3A_17, %select_n3A_18, %select_n3A_16 : i32
      %select_n3A_20 = arith.constant 0 : i32
      %select_n3A_21 = arith.constant -1 : i32
      %select_n3A_22 = arith.select %eq3A_17, %select_n3A_21, %select_n3A_20 : i32
      %eq3A_23 = arith.constant -1 : i32
      %eq3A_24 = arith.cmpi eq, %select_n3A_22, %eq3A_23 : i32
      %select_n3A_25 = arith.constant 7 : i32
      %select_n3A_26 = arith.select %eq3A_24, %select_n3A_25, %select_n3A_22 : i32
      %select_n3A_27 = arith.constant 0 : i32
      %select_n3A_28 = arith.constant -1 : i32
      %select_n3A_29 = arith.select %eq3A_24, %select_n3A_28, %select_n3A_27 : i32
      %eq3A_30 = arith.constant -1 : i32
      %eq3A_31 = arith.cmpi eq, %select_n3A_29, %eq3A_30 : i32
      %select_n3A_32 = arith.constant 15 : i32
      %select_n3A_33 = arith.select %eq3A_31, %select_n3A_32, %select_n3A_29 : i32
      %add3A_34 = arith.constant 0 : i32
      %add3A_35 = arith.addi %select_n3A_33, %add3A_34 : i32
      %add3A_36 = arith.addi %select_n3A_26, %mul3A_6 : i32
      %add3A_37 = arith.constant 0 : i32
      %add3A_38 = arith.addi %select_n3A_19, %add3A_37 : i32
      %select_n3A_39 = arith.constant true
      %select_n3A_40 = arith.constant 0 : i32
      %select_n3A_41 = arith.constant 1 : i32
      %select_n3A_42 = arith.select %select_n3A_39, %select_n3A_41, %select_n3A_40 : i32
      %eq3A_43 = arith.constant 3 : i32
      %eq3A_44 = arith.cmpi eq, %select_n3A_42, %eq3A_43 : i32
      %select_n3A_45 = arith.constant 0 : i32
      %select_n3A_46 = arith.select %eq3A_44, %select_n3A_45, %select_n3A_42 : i32
      %select_n3A_47 = arith.constant 0 : i32
      %select_n3A_48 = arith.constant 1 : i32
      %select_n3A_49 = arith.select %eq3A_44, %select_n3A_48, %select_n3A_47 : i32
      %eq3A_50 = arith.constant 8 : i32
      %eq3A_51 = arith.cmpi eq, %select_n3A_49, %eq3A_50 : i32
      %select_n3A_52 = arith.constant 0 : i32
      %select_n3A_53 = arith.select %eq3A_51, %select_n3A_52, %select_n3A_49 : i32
      %select_n3A_54 = arith.constant 0 : i32
      %select_n3A_55 = arith.constant 1 : i32
      %select_n3A_56 = arith.select %eq3A_51, %select_n3A_55, %select_n3A_54 : i32
      %eq3A_57 = arith.constant 16 : i32
      %eq3A_58 = arith.cmpi eq, %select_n3A_56, %eq3A_57 : i32
      %select_n3A_59 = arith.constant 0 : i32
      %select_n3A_60 = arith.select %eq3A_58, %select_n3A_59, %select_n3A_56 : i32
      %add3A_61 = arith.constant 0 : i32
      %add3A_62 = arith.addi %select_n3A_60, %add3A_61 : i32
      %add3A_63 = arith.addi %select_n3A_53, %mul3A_6 : i32
      %add3A_64 = arith.constant 0 : i32
      %add3A_65 = arith.addi %select_n3A_46, %add3A_64 : i32
      %add3A_66 = arith.constant 1 : i32
      %add3A_67 = arith.addi %select_n3A_46, %add3A_66 : i32
      %select_n3A_68 = arith.constant true
      %select_n3A_69 = arith.select %select_n3A_68, %add3A_67, %select_n3A_46 : i32
      %eq3A_70 = arith.constant 3 : i32
      %eq3A_71 = arith.cmpi eq, %select_n3A_69, %eq3A_70 : i32
      %select_n3A_72 = arith.constant 0 : i32
      %select_n3A_73 = arith.select %eq3A_71, %select_n3A_72, %select_n3A_69 : i32
      %add3A_74 = arith.constant 1 : i32
      %add3A_75 = arith.addi %select_n3A_53, %add3A_74 : i32
      %select_n3A_76 = arith.select %eq3A_71, %add3A_75, %select_n3A_53 : i32
      %eq3A_77 = arith.constant 8 : i32
      %eq3A_78 = arith.cmpi eq, %select_n3A_76, %eq3A_77 : i32
      %select_n3A_79 = arith.constant 0 : i32
      %select_n3A_80 = arith.select %eq3A_78, %select_n3A_79, %select_n3A_76 : i32
      %add3A_81 = arith.constant 1 : i32
      %add3A_82 = arith.addi %select_n3A_60, %add3A_81 : i32
      %select_n3A_83 = arith.select %eq3A_78, %add3A_82, %select_n3A_60 : i32
      %eq3A_84 = arith.constant 16 : i32
      %eq3A_85 = arith.cmpi eq, %select_n3A_83, %eq3A_84 : i32
      %select_n3A_86 = arith.constant 0 : i32
      %select_n3A_87 = arith.select %eq3A_85, %select_n3A_86, %select_n3A_83 : i32
      %add3A_88 = arith.constant 0 : i32
      %add3A_89 = arith.addi %select_n3A_87, %add3A_88 : i32
      %add3A_90 = arith.addi %select_n3A_80, %mul3A_6 : i32
      %add3A_91 = arith.constant 0 : i32
      %add3A_92 = arith.addi %select_n3A_73, %add3A_91 : i32
      "tpu.trace_start"() <{level = 10 : i32, message = "ep_initialize_0"}> : () -> ()
      %rem3A = arith.constant 0 : i32
      %rem3A_93 = arith.constant 2 : i32
      %rem3A_94 = arith.remui %rem3A, %rem3A_93 : i32
      %jit3A = arith.constant false
      %jit3A_95 = arith.constant 1 : i32
      %jit3A_96 = arith.constant 104 : i32
      %select_n3A_97 = arith.select %jit3A, %jit3A_95, %jit3A_96 : i32
      %multiple_of3A = tpu.assume_multiple %select_n3A_97, 1 : i32
      %mul3A_98 = arith.constant 1 : i32
      %mul3A_99 = arith.muli %mul3A_98, %add3A_13 : i32
      %dma_start3A = arith.constant 0 : i32
      %dma_start3A_100 = arith.constant 0 : i32
      %dma_start3A_101 = arith.constant 0 : i32
      %dma_start3A_102 = arith.constant 0 : i32
      %dma_start3A_103 = tpu.memref_slice %run_scoped3A[%rem3A_94, %dma_start3A, %dma_start3A_100, %dma_start3A_101, %dma_start3A_102] <%multiple_of3A> : memref<2x1x104x1x16xf32, #tpu.memory_space<vmem>> -> memref<1x1x?x1x16xf32, #tpu.memory_space<vmem>>
      %dma_start3A_104 = tpu.memref_squeeze %dma_start3A_103 : memref<1x1x?x1x16xf32, #tpu.memory_space<vmem>> -> memref<1x?x1x16xf32, #tpu.memory_space<vmem>>
      %dma_start3A_105 = arith.constant 48 : i32
      %dma_start3A_106 = arith.constant 0 : i32
      %dma_start3A_107 = arith.constant 0 : i32
      %dma_start3A_108 = tpu.memref_slice %arg2[%dma_start3A_105, %dma_start3A_106, %mul3A_99, %dma_start3A_107] <%multiple_of3A> : memref<64x313x256x16xf32, #tpu.memory_space<hbm>> -> memref<1x?x1x16xf32, #tpu.memory_space<hbm>>
      %dma_start3A_109 = tpu.memref_slice %run_scoped3A_7[%rem3A_94] : memref<2x!tpu.dma_semaphore, #tpu.memory_space<semaphore_mem>> -> memref<1x!tpu.dma_semaphore, #tpu.memory_space<semaphore_mem>>
      %dma_start3A_110 = tpu.memref_squeeze %dma_start3A_109 : memref<1x!tpu.dma_semaphore, #tpu.memory_space<semaphore_mem>> -> memref<!tpu.dma_semaphore, #tpu.memory_space<semaphore_mem>>
      %dma_start3A_111 = arith.constant 0 : i32
      %dma_start3A_112 = arith.constant 0 : i32
      %dma_start3A_113 = arith.constant 0 : i32
      %dma_start3A_114 = arith.constant 0 : i32
      %dma_start3A_115 = tpu.memref_slice %run_scoped3A[%rem3A_94, %dma_start3A_111, %dma_start3A_112, %dma_start3A_113, %dma_start3A_114] <%multiple_of3A> : memref<2x1x104x1x16xf32, #tpu.memory_space<vmem>> -> memref<1x1x?x1x16xf32, #tpu.memory_space<vmem>>
      %dma_start3A_116 = tpu.memref_squeeze %dma_start3A_115 : memref<1x1x?x1x16xf32, #tpu.memory_space<vmem>> -> memref<1x?x1x16xf32, #tpu.memory_space<vmem>>
      %dma_start3A_117 = arith.constant 48 : i32
      %dma_start3A_118 = arith.constant 0 : i32
      %dma_start3A_119 = arith.constant 0 : i32
      %dma_start3A_120 = tpu.memref_slice %arg2[%dma_start3A_117, %dma_start3A_118, %mul3A_99, %dma_start3A_119] <%multiple_of3A> : memref<64x313x256x16xf32, #tpu.memory_space<hbm>> -> memref<1x?x1x16xf32, #tpu.memory_space<hbm>>
      tpu.enqueue_dma source(%dma_start3A_120 : memref<1x?x1x16xf32, #tpu.memory_space<hbm>>) target(%dma_start3A_116 : memref<1x?x1x16xf32, #tpu.memory_space<vmem>>) target_semaphore(%dma_start3A_110 : memref<!tpu.dma_semaphore, #tpu.memory_space<semaphore_mem>>)
      %add3A_121 = arith.constant 0 : i32
      %add3A_122 = arith.constant 1 : i32
      %add3A_123 = arith.addi %add3A_121, %add3A_122 : i32
      %select_n3A_124 = arith.constant true
      %select_n3A_125 = arith.constant 0 : i32
      %select_n3A_126 = arith.select %select_n3A_124, %add3A_123, %select_n3A_125 : i32
      %rem3A_127 = arith.constant 0 : i32
      %rem3A_128 = arith.constant 2 : i32
      %rem3A_129 = arith.remui %rem3A_127, %rem3A_128 : i32
      %jit3A_130 = arith.constant false
      %jit3A_131 = arith.constant 1 : i32
      %jit3A_132 = arith.constant 104 : i32
      %select_n3A_133 = arith.select %jit3A_130, %jit3A_131, %jit3A_132 : i32
      %multiple_of3A_134 = tpu.assume_multiple %select_n3A_133, 1 : i32
      %mul3A_135 = arith.constant 1 : i32
      %mul3A_136 = arith.muli %mul3A_135, %add3A_13 : i32
      %dma_start3A_137 = arith.constant 0 : i32
      %dma_start3A_138 = arith.constant 0 : i32
      %dma_start3A_139 = arith.constant 0 : i32
      %dma_start3A_140 = arith.constant 0 : i32
      %dma_start3A_141 = tpu.memref_slice %run_scoped3A_8[%rem3A_129, %dma_start3A_137, %dma_start3A_138, %dma_start3A_139, %dma_start3A_140] <%multiple_of3A_134> : memref<2x1x104x1x16xf32, #tpu.memory_space<vmem>> -> memref<1x1x?x1x16xf32, #tpu.memory_space<vmem>>
      %dma_start3A_142 = tpu.memref_squeeze %dma_start3A_141 : memref<1x1x?x1x16xf32, #tpu.memory_space<vmem>> -> memref<1x?x1x16xf32, #tpu.memory_space<vmem>>
      %dma_start3A_143 = arith.constant 48 : i32
      %dma_start3A_144 = arith.constant 0 : i32
      %dma_start3A_145 = arith.constant 0 : i32
      %dma_start3A_146 = tpu.memref_slice %arg3[%dma_start3A_143, %dma_start3A_144, %mul3A_136, %dma_start3A_145] <%multiple_of3A_134> : memref<64x313x256x16xf32, #tpu.memory_space<hbm>> -> memref<1x?x1x16xf32, #tpu.memory_space<hbm>>
      %dma_start3A_147 = tpu.memref_slice %run_scoped3A_9[%rem3A_129] : memref<2x!tpu.dma_semaphore, #tpu.memory_space<semaphore_mem>> -> memref<1x!tpu.dma_semaphore, #tpu.memory_space<semaphore_mem>>
      %dma_start3A_148 = tpu.memref_squeeze %dma_start3A_147 : memref<1x!tpu.dma_semaphore, #tpu.memory_space<semaphore_mem>> -> memref<!tpu.dma_semaphore, #tpu.memory_space<semaphore_mem>>
      %dma_start3A_149 = arith.constant 0 : i32
      %dma_start3A_150 = arith.constant 0 : i32
      %dma_start3A_151 = arith.constant 0 : i32
      %dma_start3A_152 = arith.constant 0 : i32
      %dma_start3A_153 = tpu.memref_slice %run_scoped3A_8[%rem3A_129, %dma_start3A_149, %dma_start3A_150, %dma_start3A_151, %dma_start3A_152] <%multiple_of3A_134> : memref<2x1x104x1x16xf32, #tpu.memory_space<vmem>> -> memref<1x1x?x1x16xf32, #tpu.memory_space<vmem>>
      %dma_start3A_154 = tpu.memref_squeeze %dma_start3A_153 : memref<1x1x?x1x16xf32, #tpu.memory_space<vmem>> -> memref<1x?x1x16xf32, #tpu.memory_space<vmem>>
      %dma_start3A_155 = arith.constant 48 : i32
      %dma_start3A_156 = arith.constant 0 : i32
      %dma_start3A_157 = arith.constant 0 : i32
      %dma_start3A_158 = tpu.memref_slice %arg3[%dma_start3A_155, %dma_start3A_156, %mul3A_136, %dma_start3A_157] <%multiple_of3A_134> : memref<64x313x256x16xf32, #tpu.memory_space<hbm>> -> memref<1x?x1x16xf32, #tpu.memory_space<hbm>>
      tpu.enqueue_dma source(%dma_start3A_158 : memref<1x?x1x16xf32, #tpu.memory_space<hbm>>) target(%dma_start3A_154 : memref<1x?x1x16xf32, #tpu.memory_space<vmem>>) target_semaphore(%dma_start3A_148 : memref<!tpu.dma_semaphore, #tpu.memory_space<semaphore_mem>>)
      %add3A_159 = arith.constant 0 : i32
      %add3A_160 = arith.constant 1 : i32
      %add3A_161 = arith.addi %add3A_159, %add3A_160 : i32
      %select_n3A_162 = arith.constant true
      %select_n3A_163 = arith.constant 0 : i32
      %select_n3A_164 = arith.select %select_n3A_162, %add3A_161, %select_n3A_163 : i32
      "tpu.trace_stop"() : () -> ()
      %scan3A = arith.constant 0 : i32
      %scan3A_165 = arith.constant 0 : i32
      %scan3A_166 = arith.constant 0 : i32
      %scan3A_167 = arith.constant 0 : i32
      %scan3A_168 = arith.constant 0 : i32
      %scan3A_169 = arith.constant 0 : i32
      %scan3A_170 = arith.constant 0 : i32
      %scan3A_171 = arith.constant 0 : i32
      %scan3A_172 = arith.constant 384 : i32
      %scan3A_173 = arith.addi %scan3A_171, %scan3A_172 : i32
      %scan3A_174 = arith.constant 1 : i32
      %scan3A_175:9 = scf.for %scan3A_309 = %scan3A_171 to %scan3A_173 step %scan3A_174 iter_args(%scan3A_310 = %select_n3A_126, %scan3A_311 = %scan3A, %scan3A_312 = %select_n3A_164, %scan3A_313 = %scan3A_165, %scan3A_314 = %scan3A_166, %scan3A_315 = %scan3A_167, %scan3A_316 = %scan3A_168, %scan3A_317 = %scan3A_169, %scan3A_318 = %scan3A_170) -> (i32, i32, i32, i32, i32, i32, i32, i32, i32)  : i32 {
        %eq3A_319 = arith.constant 0 : i32
        %eq3A_320 = arith.cmpi eq, %scan3A_309, %eq3A_319 : i32
        %eq3A_321 = arith.constant 383 : i32
        %eq3A_322 = arith.cmpi eq, %scan3A_309, %eq3A_321 : i32
        %add3A_323 = arith.constant 0 : i32
        %add3A_324 = arith.addi %scan3A_316, %add3A_323 : i32
        %add3A_325 = arith.addi %scan3A_317, %mul3A_6 : i32
        %add3A_326 = arith.constant 0 : i32
        %add3A_327 = arith.addi %scan3A_318, %add3A_326 : i32
        %sub3A_328 = arith.constant 1 : i32
        %sub3A_329 = arith.subi %scan3A_318, %sub3A_328 : i32
        %select_n3A_330 = arith.constant true
        %select_n3A_331 = arith.select %select_n3A_330, %sub3A_329, %scan3A_318 : i32
        %eq3A_332 = arith.constant -1 : i32
        %eq3A_333 = arith.cmpi eq, %select_n3A_331, %eq3A_332 : i32
        %select_n3A_334 = arith.constant 2 : i32
        %select_n3A_335 = arith.select %eq3A_333, %select_n3A_334, %select_n3A_331 : i32
        %sub3A_336 = arith.constant 1 : i32
        %sub3A_337 = arith.subi %scan3A_317, %sub3A_336 : i32
        %select_n3A_338 = arith.select %eq3A_333, %sub3A_337, %scan3A_317 : i32
        %eq3A_339 = arith.constant -1 : i32
        %eq3A_340 = arith.cmpi eq, %select_n3A_338, %eq3A_339 : i32
        %select_n3A_341 = arith.constant 7 : i32
        %select_n3A_342 = arith.select %eq3A_340, %select_n3A_341, %select_n3A_338 : i32
        %sub3A_343 = arith.constant 1 : i32
        %sub3A_344 = arith.subi %scan3A_316, %sub3A_343 : i32
        %select_n3A_345 = arith.select %eq3A_340, %sub3A_344, %scan3A_316 : i32
        %eq3A_346 = arith.constant -1 : i32
        %eq3A_347 = arith.cmpi eq, %select_n3A_345, %eq3A_346 : i32
        %select_n3A_348 = arith.constant 15 : i32
        %select_n3A_349 = arith.select %eq3A_347, %select_n3A_348, %select_n3A_345 : i32
        %add3A_350 = arith.constant 0 : i32
        %add3A_351 = arith.addi %select_n3A_349, %add3A_350 : i32
        %add3A_352 = arith.addi %select_n3A_342, %mul3A_6 : i32
        %add3A_353 = arith.constant 0 : i32
        %add3A_354 = arith.addi %select_n3A_335, %add3A_353 : i32
        %add3A_355 = arith.constant 1 : i32
        %add3A_356 = arith.addi %scan3A_318, %add3A_355 : i32
        %select_n3A_357 = arith.constant true
        %select_n3A_358 = arith.select %select_n3A_357, %add3A_356, %scan3A_318 : i32
        %eq3A_359 = arith.constant 3 : i32
        %eq3A_360 = arith.cmpi eq, %select_n3A_358, %eq3A_359 : i32
        %select_n3A_361 = arith.constant 0 : i32
        %select_n3A_362 = arith.select %eq3A_360, %select_n3A_361, %select_n3A_358 : i32
        %add3A_363 = arith.constant 1 : i32
        %add3A_364 = arith.addi %scan3A_317, %add3A_363 : i32
        %select_n3A_365 = arith.select %eq3A_360, %add3A_364, %scan3A_317 : i32
        %eq3A_366 = arith.constant 8 : i32
        %eq3A_367 = arith.cmpi eq, %select_n3A_365, %eq3A_366 : i32
        %select_n3A_368 = arith.constant 0 : i32
        %select_n3A_369 = arith.select %eq3A_367, %select_n3A_368, %select_n3A_365 : i32
        %add3A_370 = arith.constant 1 : i32
        %add3A_371 = arith.addi %scan3A_316, %add3A_370 : i32
        %select_n3A_372 = arith.select %eq3A_367, %add3A_371, %scan3A_316 : i32
        %eq3A_373 = arith.constant 16 : i32
        %eq3A_374 = arith.cmpi eq, %select_n3A_372, %eq3A_373 : i32
        %select_n3A_375 = arith.constant 0 : i32
        %select_n3A_376 = arith.select %eq3A_374, %select_n3A_375, %select_n3A_372 : i32
        %add3A_377 = arith.constant 0 : i32
        %add3A_378 = arith.addi %select_n3A_376, %add3A_377 : i32
        %add3A_379 = arith.addi %select_n3A_369, %mul3A_6 : i32
        %add3A_380 = arith.constant 0 : i32
        %add3A_381 = arith.addi %select_n3A_362, %add3A_380 : i32
        %add3A_382 = arith.constant 1 : i32
        %add3A_383 = arith.addi %select_n3A_362, %add3A_382 : i32
        %select_n3A_384 = arith.constant true
        %select_n3A_385 = arith.select %select_n3A_384, %add3A_383, %select_n3A_362 : i32
        %eq3A_386 = arith.constant 3 : i32
        %eq3A_387 = arith.cmpi eq, %select_n3A_385, %eq3A_386 : i32
        %select_n3A_388 = arith.constant 0 : i32
        %select_n3A_389 = arith.select %eq3A_387, %select_n3A_388, %select_n3A_385 : i32
        %add3A_390 = arith.constant 1 : i32
        %add3A_391 = arith.addi %select_n3A_369, %add3A_390 : i32
        %select_n3A_392 = arith.select %eq3A_387, %add3A_391, %select_n3A_369 : i32
        %eq3A_393 = arith.constant 8 : i32
        %eq3A_394 = arith.cmpi eq, %select_n3A_392, %eq3A_393 : i32
        %select_n3A_395 = arith.constant 0 : i32
        %select_n3A_396 = arith.select %eq3A_394, %select_n3A_395, %select_n3A_392 : i32
        %add3A_397 = arith.constant 1 : i32
        %add3A_398 = arith.addi %select_n3A_376, %add3A_397 : i32
        %select_n3A_399 = arith.select %eq3A_394, %add3A_398, %select_n3A_376 : i32
        %eq3A_400 = arith.constant 16 : i32
        %eq3A_401 = arith.cmpi eq, %select_n3A_399, %eq3A_400 : i32
        %select_n3A_402 = arith.constant 0 : i32
        %select_n3A_403 = arith.select %eq3A_401, %select_n3A_402, %select_n3A_399 : i32
        %add3A_404 = arith.constant 0 : i32
        %add3A_405 = arith.addi %select_n3A_403, %add3A_404 : i32
        %add3A_406 = arith.addi %select_n3A_396, %mul3A_6 : i32
        %add3A_407 = arith.constant 0 : i32
        %add3A_408 = arith.addi %select_n3A_389, %add3A_407 : i32
        %add3A_409 = arith.constant 48 : i32
        %add3A_410 = arith.addi %add3A_324, %add3A_409 : i32
        %add3A_411 = arith.constant 48 : i32
        %add3A_412 = arith.addi %add3A_378, %add3A_411 : i32
        %ne3A = arith.cmpi ne, %add3A_410, %add3A_412 : i32
        %ne3A_413 = arith.cmpi ne, %add3A_327, %add3A_381 : i32
        %ne3A_414 = arith.cmpi ne, %add3A_325, %add3A_379 : i32
        %or3A = arith.constant false
        %or3A_415 = arith.ori %or3A, %ne3A : i1
        %or3A_416 = arith.ori %or3A_415, %ne3A_413 : i1
        %or3A_417 = arith.ori %or3A_416, %ne3A_414 : i1
        %or3A_418 = arith.constant false
        %or3A_419 = arith.ori %or3A_417, %or3A_418 : i1
        %ge3A = arith.constant 383 : i32
        %ge3A_420 = arith.cmpi sge, %scan3A_309, %ge3A : i32
        %not3A = arith.constant true
        %not3A_421 = arith.xori %ge3A_420, %not3A : i1
        %and3A = arith.andi %or3A_419, %not3A_421 : i1
        %convert_element_type3A = arith.extui %and3A : i1 to i32
        %cond3A = arith.constant 0 : i32
        %cond3A_422 = arith.cmpi ne, %convert_element_type3A, %cond3A : i32
        scf.if %cond3A_422 {
          "tpu.trace_start"() <{level = 10 : i32, message = "ep_copy_in"}> : () -> ()
          %rem3A_705 = arith.constant 2 : i32
          %rem3A_706 = arith.remui %scan3A_310, %rem3A_705 : i32
          %add3A_707 = arith.constant 48 : i32
          %add3A_708 = arith.addi %add3A_378, %add3A_707 : i32
          %mul3A_709 = arith.constant 1 : i32
          %mul3A_710 = arith.muli %mul3A_709, %add3A_708 : i32
          %mul3A_711 = arith.constant 104 : i32
          %mul3A_712 = arith.muli %mul3A_711, %add3A_381 : i32
          %eq3A_713 = arith.constant 3 : i32
          %eq3A_714 = arith.cmpi eq, %add3A_381, %eq3A_713 : i32
          %jit3A_715 = arith.constant 1 : i32
          %jit3A_716 = arith.constant 104 : i32
          %select_n3A_717 = arith.select %eq3A_714, %jit3A_715, %jit3A_716 : i32
          %multiple_of3A_718 = tpu.assume_multiple %select_n3A_717, 1 : i32
          %mul3A_719 = arith.constant 104 : i32
          %mul3A_720 = arith.muli %add3A_381, %mul3A_719 : i32
          %mul3A_721 = arith.constant 1 : i32
          %mul3A_722 = arith.muli %mul3A_721, %add3A_379 : i32
          %dma_start3A_723 = arith.constant 0 : i32
          %dma_start3A_724 = arith.constant 0 : i32
          %dma_start3A_725 = arith.constant 0 : i32
          %dma_start3A_726 = arith.constant 0 : i32
          %dma_start3A_727 = tpu.memref_slice %run_scoped3A[%rem3A_706, %dma_start3A_723, %dma_start3A_724, %dma_start3A_725, %dma_start3A_726] <%multiple_of3A_718> : memref<2x1x104x1x16xf32, #tpu.memory_space<vmem>> -> memref<1x1x?x1x16xf32, #tpu.memory_space<vmem>>
          %dma_start3A_728 = tpu.memref_squeeze %dma_start3A_727 : memref<1x1x?x1x16xf32, #tpu.memory_space<vmem>> -> memref<1x?x1x16xf32, #tpu.memory_space<vmem>>
          %dma_start3A_729 = arith.constant 0 : i32
          %dma_start3A_730 = tpu.memref_slice %arg2[%mul3A_710, %mul3A_720, %mul3A_722, %dma_start3A_729] <%multiple_of3A_718> : memref<64x313x256x16xf32, #tpu.memory_space<hbm>> -> memref<1x?x1x16xf32, #tpu.memory_space<hbm>>
          %dma_start3A_731 = tpu.memref_slice %run_scoped3A_7[%rem3A_706] : memref<2x!tpu.dma_semaphore, #tpu.memory_space<semaphore_mem>> -> memref<1x!tpu.dma_semaphore, #tpu.memory_space<semaphore_mem>>
          %dma_start3A_732 = tpu.memref_squeeze %dma_start3A_731 : memref<1x!tpu.dma_semaphore, #tpu.memory_space<semaphore_mem>> -> memref<!tpu.dma_semaphore, #tpu.memory_space<semaphore_mem>>
          %dma_start3A_733 = arith.constant 0 : i32
          %dma_start3A_734 = arith.constant 0 : i32
          %dma_start3A_735 = arith.constant 0 : i32
          %dma_start3A_736 = arith.constant 0 : i32
          %dma_start3A_737 = tpu.memref_slice %run_scoped3A[%rem3A_706, %dma_start3A_733, %dma_start3A_734, %dma_start3A_735, %dma_start3A_736] <%multiple_of3A_718> : memref<2x1x104x1x16xf32, #tpu.memory_space<vmem>> -> memref<1x1x?x1x16xf32, #tpu.memory_space<vmem>>
          %dma_start3A_738 = tpu.memref_squeeze %dma_start3A_737 : memref<1x1x?x1x16xf32, #tpu.memory_space<vmem>> -> memref<1x?x1x16xf32, #tpu.memory_space<vmem>>
          %dma_start3A_739 = arith.constant 0 : i32
          %dma_start3A_740 = tpu.memref_slice %arg2[%mul3A_710, %mul3A_720, %mul3A_722, %dma_start3A_739] <%multiple_of3A_718> : memref<64x313x256x16xf32, #tpu.memory_space<hbm>> -> memref<1x?x1x16xf32, #tpu.memory_space<hbm>>
          tpu.enqueue_dma source(%dma_start3A_740 : memref<1x?x1x16xf32, #tpu.memory_space<hbm>>) target(%dma_start3A_738 : memref<1x?x1x16xf32, #tpu.memory_space<vmem>>) target_semaphore(%dma_start3A_732 : memref<!tpu.dma_semaphore, #tpu.memory_space<semaphore_mem>>)
          "tpu.trace_stop"() : () -> ()
        } else {
        }
        %and3A_423 = arith.constant true
        %and3A_424 = arith.andi %and3A, %and3A_423 : i1
        %add3A_425 = arith.constant 1 : i32
        %add3A_426 = arith.addi %scan3A_310, %add3A_425 : i32
        %select_n3A_427 = arith.select %and3A_424, %add3A_426, %scan3A_310 : i32
        %add3A_428 = arith.constant 48 : i32
        %add3A_429 = arith.addi %add3A_324, %add3A_428 : i32
        %add3A_430 = arith.constant 48 : i32
        %add3A_431 = arith.addi %add3A_378, %add3A_430 : i32
        %ne3A_432 = arith.cmpi ne, %add3A_429, %add3A_431 : i32
        %ne3A_433 = arith.cmpi ne, %add3A_327, %add3A_381 : i32
        %ne3A_434 = arith.cmpi ne, %add3A_325, %add3A_379 : i32
        %or3A_435 = arith.constant false
        %or3A_436 = arith.ori %or3A_435, %ne3A_432 : i1
        %or3A_437 = arith.ori %or3A_436, %ne3A_433 : i1
        %or3A_438 = arith.ori %or3A_437, %ne3A_434 : i1
        %or3A_439 = arith.constant false
        %or3A_440 = arith.ori %or3A_438, %or3A_439 : i1
        %ge3A_441 = arith.constant 383 : i32
        %ge3A_442 = arith.cmpi sge, %scan3A_309, %ge3A_441 : i32
        %not3A_443 = arith.constant true
        %not3A_444 = arith.xori %ge3A_442, %not3A_443 : i1
        %and3A_445 = arith.andi %or3A_440, %not3A_444 : i1
        %convert_element_type3A_446 = arith.extui %and3A_445 : i1 to i32
        %cond3A_447 = arith.constant 0 : i32
        %cond3A_448 = arith.cmpi ne, %convert_element_type3A_446, %cond3A_447 : i32
        scf.if %cond3A_448 {
          "tpu.trace_start"() <{level = 10 : i32, message = "ep_copy_in"}> : () -> ()
          %rem3A_705 = arith.constant 2 : i32
          %rem3A_706 = arith.remui %scan3A_312, %rem3A_705 : i32
          %add3A_707 = arith.constant 48 : i32
          %add3A_708 = arith.addi %add3A_378, %add3A_707 : i32
          %mul3A_709 = arith.constant 1 : i32
          %mul3A_710 = arith.muli %mul3A_709, %add3A_708 : i32
          %mul3A_711 = arith.constant 104 : i32
          %mul3A_712 = arith.muli %mul3A_711, %add3A_381 : i32
          %eq3A_713 = arith.constant 3 : i32
          %eq3A_714 = arith.cmpi eq, %add3A_381, %eq3A_713 : i32
          %jit3A_715 = arith.constant 1 : i32
          %jit3A_716 = arith.constant 104 : i32
          %select_n3A_717 = arith.select %eq3A_714, %jit3A_715, %jit3A_716 : i32
          %multiple_of3A_718 = tpu.assume_multiple %select_n3A_717, 1 : i32
          %mul3A_719 = arith.constant 104 : i32
          %mul3A_720 = arith.muli %add3A_381, %mul3A_719 : i32
          %mul3A_721 = arith.constant 1 : i32
          %mul3A_722 = arith.muli %mul3A_721, %add3A_379 : i32
          %dma_start3A_723 = arith.constant 0 : i32
          %dma_start3A_724 = arith.constant 0 : i32
          %dma_start3A_725 = arith.constant 0 : i32
          %dma_start3A_726 = arith.constant 0 : i32
          %dma_start3A_727 = tpu.memref_slice %run_scoped3A_8[%rem3A_706, %dma_start3A_723, %dma_start3A_724, %dma_start3A_725, %dma_start3A_726] <%multiple_of3A_718> : memref<2x1x104x1x16xf32, #tpu.memory_space<vmem>> -> memref<1x1x?x1x16xf32, #tpu.memory_space<vmem>>
          %dma_start3A_728 = tpu.memref_squeeze %dma_start3A_727 : memref<1x1x?x1x16xf32, #tpu.memory_space<vmem>> -> memref<1x?x1x16xf32, #tpu.memory_space<vmem>>
          %dma_start3A_729 = arith.constant 0 : i32
          %dma_start3A_730 = tpu.memref_slice %arg3[%mul3A_710, %mul3A_720, %mul3A_722, %dma_start3A_729] <%multiple_of3A_718> : memref<64x313x256x16xf32, #tpu.memory_space<hbm>> -> memref<1x?x1x16xf32, #tpu.memory_space<hbm>>
          %dma_start3A_731 = tpu.memref_slice %run_scoped3A_9[%rem3A_706] : memref<2x!tpu.dma_semaphore, #tpu.memory_space<semaphore_mem>> -> memref<1x!tpu.dma_semaphore, #tpu.memory_space<semaphore_mem>>
          %dma_start3A_732 = tpu.memref_squeeze %dma_start3A_731 : memref<1x!tpu.dma_semaphore, #tpu.memory_space<semaphore_mem>> -> memref<!tpu.dma_semaphore, #tpu.memory_space<semaphore_mem>>
          %dma_start3A_733 = arith.constant 0 : i32
          %dma_start3A_734 = arith.constant 0 : i32
          %dma_start3A_735 = arith.constant 0 : i32
          %dma_start3A_736 = arith.constant 0 : i32
          %dma_start3A_737 = tpu.memref_slice %run_scoped3A_8[%rem3A_706, %dma_start3A_733, %dma_start3A_734, %dma_start3A_735, %dma_start3A_736] <%multiple_of3A_718> : memref<2x1x104x1x16xf32, #tpu.memory_space<vmem>> -> memref<1x1x?x1x16xf32, #tpu.memory_space<vmem>>
          %dma_start3A_738 = tpu.memref_squeeze %dma_start3A_737 : memref<1x1x?x1x16xf32, #tpu.memory_space<vmem>> -> memref<1x?x1x16xf32, #tpu.memory_space<vmem>>
          %dma_start3A_739 = arith.constant 0 : i32
          %dma_start3A_740 = tpu.memref_slice %arg3[%mul3A_710, %mul3A_720, %mul3A_722, %dma_start3A_739] <%multiple_of3A_718> : memref<64x313x256x16xf32, #tpu.memory_space<hbm>> -> memref<1x?x1x16xf32, #tpu.memory_space<hbm>>
          tpu.enqueue_dma source(%dma_start3A_740 : memref<1x?x1x16xf32, #tpu.memory_space<hbm>>) target(%dma_start3A_738 : memref<1x?x1x16xf32, #tpu.memory_space<vmem>>) target_semaphore(%dma_start3A_732 : memref<!tpu.dma_semaphore, #tpu.memory_space<semaphore_mem>>)
          "tpu.trace_stop"() : () -> ()
        } else {
        }
        %and3A_449 = arith.constant true
        %and3A_450 = arith.andi %and3A_445, %and3A_449 : i1
        %add3A_451 = arith.constant 1 : i32
        %add3A_452 = arith.addi %scan3A_312, %add3A_451 : i32
        %select_n3A_453 = arith.select %and3A_450, %add3A_452, %scan3A_312 : i32
        %ne3A_454 = arith.cmpi ne, %add3A_324, %add3A_378 : i32
        %ne3A_455 = arith.cmpi ne, %add3A_325, %add3A_379 : i32
        %or3A_456 = arith.constant false
        %or3A_457 = arith.ori %or3A_456, %ne3A_454 : i1
        %or3A_458 = arith.constant false
        %or3A_459 = arith.ori %or3A_457, %or3A_458 : i1
        %or3A_460 = arith.ori %or3A_459, %ne3A_455 : i1
        %or3A_461 = arith.constant false
        %or3A_462 = arith.ori %or3A_460, %or3A_461 : i1
        %ge3A_463 = arith.constant 383 : i32
        %ge3A_464 = arith.cmpi sge, %scan3A_309, %ge3A_463 : i32
        %not3A_465 = arith.constant true
        %not3A_466 = arith.xori %ge3A_464, %not3A_465 : i1
        %and3A_467 = arith.andi %or3A_462, %not3A_466 : i1
        %add3A_468 = arith.constant 48 : i32
        %add3A_469 = arith.addi %add3A_324, %add3A_468 : i32
        %add3A_470 = arith.constant 48 : i32
        %add3A_471 = arith.addi %add3A_351, %add3A_470 : i32
        %ne3A_472 = arith.cmpi ne, %add3A_469, %add3A_471 : i32
        %ne3A_473 = arith.cmpi ne, %add3A_327, %add3A_354 : i32
        %ne3A_474 = arith.cmpi ne, %add3A_325, %add3A_352 : i32
        %or3A_475 = arith.constant false
        %or3A_476 = arith.ori %or3A_475, %ne3A_472 : i1
        %or3A_477 = arith.ori %or3A_476, %ne3A_473 : i1
        %or3A_478 = arith.ori %or3A_477, %ne3A_474 : i1
        %or3A_479 = arith.constant false
        %or3A_480 = arith.ori %or3A_478, %or3A_479 : i1
        %or3A_481 = arith.ori %or3A_480, %eq3A_320 : i1
        %convert_element_type3A_482 = arith.extui %or3A_481 : i1 to i32
        %cond3A_483 = arith.constant 0 : i32
        %cond3A_484 = arith.cmpi ne, %convert_element_type3A_482, %cond3A_483 : i32
        scf.if %cond3A_484 {
          "tpu.trace_start"() <{level = 10 : i32, message = "ep_wait_in"}> : () -> ()
          %add3A_705 = arith.constant 48 : i32
          %add3A_706 = arith.addi %add3A_324, %add3A_705 : i32
          %mul3A_707 = arith.constant 1 : i32
          %mul3A_708 = arith.muli %mul3A_707, %add3A_706 : i32
          %mul3A_709 = arith.constant 104 : i32
          %mul3A_710 = arith.muli %mul3A_709, %add3A_327 : i32
          %eq3A_711 = arith.constant 3 : i32
          %eq3A_712 = arith.cmpi eq, %add3A_327, %eq3A_711 : i32
          %jit3A_713 = arith.constant 1 : i32
          %jit3A_714 = arith.constant 104 : i32
          %select_n3A_715 = arith.select %eq3A_712, %jit3A_713, %jit3A_714 : i32
          %multiple_of3A_716 = tpu.assume_multiple %select_n3A_715, 1 : i32
          %mul3A_717 = arith.constant 104 : i32
          %mul3A_718 = arith.muli %add3A_327, %mul3A_717 : i32
          %mul3A_719 = arith.constant 1 : i32
          %mul3A_720 = arith.muli %mul3A_719, %add3A_325 : i32
          %rem3A_721 = arith.constant 2 : i32
          %rem3A_722 = arith.remui %scan3A_311, %rem3A_721 : i32
          %dma_wait3A_723 = arith.constant 0 : i32
          %dma_wait3A_724 = arith.constant 0 : i32
          %dma_wait3A_725 = arith.constant 0 : i32
          %dma_wait3A_726 = arith.constant 0 : i32
          %dma_wait3A_727 = tpu.memref_slice %run_scoped3A[%rem3A_722, %dma_wait3A_723, %dma_wait3A_724, %dma_wait3A_725, %dma_wait3A_726] <%multiple_of3A_716> : memref<2x1x104x1x16xf32, #tpu.memory_space<vmem>> -> memref<1x1x?x1x16xf32, #tpu.memory_space<vmem>>
          %dma_wait3A_728 = tpu.memref_squeeze %dma_wait3A_727 : memref<1x1x?x1x16xf32, #tpu.memory_space<vmem>> -> memref<1x?x1x16xf32, #tpu.memory_space<vmem>>
          %dma_wait3A_729 = arith.constant 0 : i32
          %dma_wait3A_730 = tpu.memref_slice %arg2[%mul3A_708, %mul3A_718, %mul3A_720, %dma_wait3A_729] <%multiple_of3A_716> : memref<64x313x256x16xf32, #tpu.memory_space<hbm>> -> memref<1x?x1x16xf32, #tpu.memory_space<hbm>>
          %dma_wait3A_731 = tpu.memref_slice %run_scoped3A_7[%rem3A_722] : memref<2x!tpu.dma_semaphore, #tpu.memory_space<semaphore_mem>> -> memref<1x!tpu.dma_semaphore, #tpu.memory_space<semaphore_mem>>
          %dma_wait3A_732 = tpu.memref_squeeze %dma_wait3A_731 : memref<1x!tpu.dma_semaphore, #tpu.memory_space<semaphore_mem>> -> memref<!tpu.dma_semaphore, #tpu.memory_space<semaphore_mem>>
          %dma_wait3A_733 = arith.constant 0 : i32
          %dma_wait3A_734 = arith.constant 0 : i32
          %dma_wait3A_735 = arith.constant 0 : i32
          %dma_wait3A_736 = arith.constant 0 : i32
          %dma_wait3A_737 = tpu.memref_slice %run_scoped3A[%rem3A_722, %dma_wait3A_733, %dma_wait3A_734, %dma_wait3A_735, %dma_wait3A_736] <%multiple_of3A_716> : memref<2x1x104x1x16xf32, #tpu.memory_space<vmem>> -> memref<1x1x?x1x16xf32, #tpu.memory_space<vmem>>
          %dma_wait3A_738 = tpu.memref_squeeze %dma_wait3A_737 : memref<1x1x?x1x16xf32, #tpu.memory_space<vmem>> -> memref<1x?x1x16xf32, #tpu.memory_space<vmem>>
          %dma_wait3A_739 = arith.constant 0 : i32
          %dma_wait3A_740 = tpu.memref_slice %arg2[%mul3A_708, %mul3A_718, %mul3A_720, %dma_wait3A_739] <%multiple_of3A_716> : memref<64x313x256x16xf32, #tpu.memory_space<hbm>> -> memref<1x?x1x16xf32, #tpu.memory_space<hbm>>
          tpu.wait_dma2 semaphore(%dma_wait3A_732 : memref<!tpu.dma_semaphore, #tpu.memory_space<semaphore_mem>>) src(%dma_wait3A_740 : memref<1x?x1x16xf32, #tpu.memory_space<hbm>>) dst(%dma_wait3A_738 : memref<1x?x1x16xf32, #tpu.memory_space<vmem>>)
          "tpu.trace_stop"() : () -> ()
        } else {
        }
        %add3A_485 = arith.constant 48 : i32
        %add3A_486 = arith.addi %add3A_324, %add3A_485 : i32
        %add3A_487 = arith.constant 48 : i32
        %add3A_488 = arith.addi %add3A_351, %add3A_487 : i32
        %ne3A_489 = arith.cmpi ne, %add3A_486, %add3A_488 : i32
        %ne3A_490 = arith.cmpi ne, %add3A_327, %add3A_354 : i32
        %ne3A_491 = arith.cmpi ne, %add3A_325, %add3A_352 : i32
        %or3A_492 = arith.constant false
        %or3A_493 = arith.ori %or3A_492, %ne3A_489 : i1
        %or3A_494 = arith.ori %or3A_493, %ne3A_490 : i1
        %or3A_495 = arith.ori %or3A_494, %ne3A_491 : i1
        %or3A_496 = arith.constant false
        %or3A_497 = arith.ori %or3A_495, %or3A_496 : i1
        %or3A_498 = arith.ori %or3A_497, %eq3A_320 : i1
        %convert_element_type3A_499 = arith.extui %or3A_498 : i1 to i32
        %cond3A_500 = arith.constant 0 : i32
        %cond3A_501 = arith.cmpi ne, %convert_element_type3A_499, %cond3A_500 : i32
        scf.if %cond3A_501 {
          "tpu.trace_start"() <{level = 10 : i32, message = "ep_wait_in"}> : () -> ()
          %add3A_705 = arith.constant 48 : i32
          %add3A_706 = arith.addi %add3A_324, %add3A_705 : i32
          %mul3A_707 = arith.constant 1 : i32
          %mul3A_708 = arith.muli %mul3A_707, %add3A_706 : i32
          %mul3A_709 = arith.constant 104 : i32
          %mul3A_710 = arith.muli %mul3A_709, %add3A_327 : i32
          %eq3A_711 = arith.constant 3 : i32
          %eq3A_712 = arith.cmpi eq, %add3A_327, %eq3A_711 : i32
          %jit3A_713 = arith.constant 1 : i32
          %jit3A_714 = arith.constant 104 : i32
          %select_n3A_715 = arith.select %eq3A_712, %jit3A_713, %jit3A_714 : i32
          %multiple_of3A_716 = tpu.assume_multiple %select_n3A_715, 1 : i32
          %mul3A_717 = arith.constant 104 : i32
          %mul3A_718 = arith.muli %add3A_327, %mul3A_717 : i32
          %mul3A_719 = arith.constant 1 : i32
          %mul3A_720 = arith.muli %mul3A_719, %add3A_325 : i32
          %rem3A_721 = arith.constant 2 : i32
          %rem3A_722 = arith.remui %scan3A_313, %rem3A_721 : i32
          %dma_wait3A_723 = arith.constant 0 : i32
          %dma_wait3A_724 = arith.constant 0 : i32
          %dma_wait3A_725 = arith.constant 0 : i32
          %dma_wait3A_726 = arith.constant 0 : i32
          %dma_wait3A_727 = tpu.memref_slice %run_scoped3A_8[%rem3A_722, %dma_wait3A_723, %dma_wait3A_724, %dma_wait3A_725, %dma_wait3A_726] <%multiple_of3A_716> : memref<2x1x104x1x16xf32, #tpu.memory_space<vmem>> -> memref<1x1x?x1x16xf32, #tpu.memory_space<vmem>>
          %dma_wait3A_728 = tpu.memref_squeeze %dma_wait3A_727 : memref<1x1x?x1x16xf32, #tpu.memory_space<vmem>> -> memref<1x?x1x16xf32, #tpu.memory_space<vmem>>
          %dma_wait3A_729 = arith.constant 0 : i32
          %dma_wait3A_730 = tpu.memref_slice %arg3[%mul3A_708, %mul3A_718, %mul3A_720, %dma_wait3A_729] <%multiple_of3A_716> : memref<64x313x256x16xf32, #tpu.memory_space<hbm>> -> memref<1x?x1x16xf32, #tpu.memory_space<hbm>>
          %dma_wait3A_731 = tpu.memref_slice %run_scoped3A_9[%rem3A_722] : memref<2x!tpu.dma_semaphore, #tpu.memory_space<semaphore_mem>> -> memref<1x!tpu.dma_semaphore, #tpu.memory_space<semaphore_mem>>
          %dma_wait3A_732 = tpu.memref_squeeze %dma_wait3A_731 : memref<1x!tpu.dma_semaphore, #tpu.memory_space<semaphore_mem>> -> memref<!tpu.dma_semaphore, #tpu.memory_space<semaphore_mem>>
          %dma_wait3A_733 = arith.constant 0 : i32
          %dma_wait3A_734 = arith.constant 0 : i32
          %dma_wait3A_735 = arith.constant 0 : i32
          %dma_wait3A_736 = arith.constant 0 : i32
          %dma_wait3A_737 = tpu.memref_slice %run_scoped3A_8[%rem3A_722, %dma_wait3A_733, %dma_wait3A_734, %dma_wait3A_735, %dma_wait3A_736] <%multiple_of3A_716> : memref<2x1x104x1x16xf32, #tpu.memory_space<vmem>> -> memref<1x1x?x1x16xf32, #tpu.memory_space<vmem>>
          %dma_wait3A_738 = tpu.memref_squeeze %dma_wait3A_737 : memref<1x1x?x1x16xf32, #tpu.memory_space<vmem>> -> memref<1x?x1x16xf32, #tpu.memory_space<vmem>>
          %dma_wait3A_739 = arith.constant 0 : i32
          %dma_wait3A_740 = tpu.memref_slice %arg3[%mul3A_708, %mul3A_718, %mul3A_720, %dma_wait3A_739] <%multiple_of3A_716> : memref<64x313x256x16xf32, #tpu.memory_space<hbm>> -> memref<1x?x1x16xf32, #tpu.memory_space<hbm>>
          tpu.wait_dma2 semaphore(%dma_wait3A_732 : memref<!tpu.dma_semaphore, #tpu.memory_space<semaphore_mem>>) src(%dma_wait3A_740 : memref<1x?x1x16xf32, #tpu.memory_space<hbm>>) dst(%dma_wait3A_738 : memref<1x?x1x16xf32, #tpu.memory_space<vmem>>)
          "tpu.trace_stop"() : () -> ()
        } else {
        }
        %ne3A_502 = arith.cmpi ne, %add3A_324, %add3A_351 : i32
        %ne3A_503 = arith.cmpi ne, %add3A_325, %add3A_352 : i32
        %or3A_504 = arith.constant false
        %or3A_505 = arith.ori %or3A_504, %ne3A_502 : i1
        %or3A_506 = arith.constant false
        %or3A_507 = arith.ori %or3A_505, %or3A_506 : i1
        %or3A_508 = arith.ori %or3A_507, %ne3A_503 : i1
        %or3A_509 = arith.constant false
        %or3A_510 = arith.ori %or3A_508, %or3A_509 : i1
        %or3A_511 = arith.ori %or3A_510, %eq3A_320 : i1
        %convert_element_type3A_512 = arith.extui %or3A_511 : i1 to i32
        %cond3A_513 = arith.constant 0 : i32
        %cond3A_514 = arith.cmpi ne, %convert_element_type3A_512, %cond3A_513 : i32
        scf.if %cond3A_514 {
        } else {
        }
        %rem3A_515 = arith.constant 2 : i32
        %rem3A_516 = arith.remui %scan3A_311, %rem3A_515 : i32
        %rem3A_517 = arith.constant 2 : i32
        %rem3A_518 = arith.remui %scan3A_313, %rem3A_517 : i32
        %rem3A_519 = arith.constant 2 : i32
        %rem3A_520 = arith.remui %scan3A_314, %rem3A_519 : i32
        %eq3A_521 = arith.constant 0 : i32
        "tpu.trace_start"() <{level = 10 : i32, message = "ep_run_kernel"}> : () -> ()
        %eq3A_522 = arith.cmpi eq, %add3A_327, %eq3A_521 : i32
        %convert_element_type3A_523 = arith.extui %eq3A_522 : i1 to i32
        %cond3A_524 = arith.constant 0 : i32
        %cond3A_525 = arith.cmpi ne, %convert_element_type3A_523, %cond3A_524 : i32
        scf.if %cond3A_525 {
          %broadcast_in_dim3A = arith.constant 0.000000e+00 : f32
          %broadcast_in_dim3A_705 = vector.broadcast %broadcast_in_dim3A : f32 to vector<16xf32>
          %swap3A = arith.constant 0 : i32
          %swap3A_706 = arith.constant 0 : i32
          %swap3A_707 = arith.constant 0 : i32
          %swap3A_708 = arith.constant 0 : i32
          %swap3A_709 = arith.constant 0 : i32
          %swap3A_710 = arith.constant 0 : i32
          %swap3A_711 = arith.constant 0 : i32
          %swap3A_712 = tpu.memref_slice %run_scoped3A_10[%rem3A_520, %swap3A_708, %swap3A_709, %swap3A_710, %swap3A_711] : memref<2x1x3x1x16xf32, #tpu.memory_space<vmem>> -> memref<1x1x3x1x16xf32, #tpu.memory_space<vmem>>
          %swap3A_713 = tpu.memref_squeeze %swap3A_712 : memref<1x1x3x1x16xf32, #tpu.memory_space<vmem>> -> memref<1x3x1x16xf32, #tpu.memory_space<vmem>>
          %swap3A_714 = arith.index_cast %swap3A : i32 to index
          %swap3A_715 = arith.index_cast %swap3A_706 : i32 to index
          %swap3A_716 = arith.index_cast %swap3A_707 : i32 to index
          %swap3A_717 = arith.constant 0 : index
          %swap3A_718 = tpu.vector_load %swap3A_713[%swap3A_714, %swap3A_715, %swap3A_716, %swap3A_717] {strides = array<i32>} : memref<1x3x1x16xf32, #tpu.memory_space<vmem>>, vector<1x1x1x16xf32>,
          %swap3A_719 = vector.shape_cast %swap3A_718 : vector<1x1x1x16xf32> to vector<16xf32>
          %swap3A_720 = vector.shape_cast %broadcast_in_dim3A_705 : vector<16xf32> to vector<1x1x1x16xf32>
          tpu.vector_store %swap3A_713[%swap3A_714, %swap3A_715, %swap3A_716, %swap3A_717], %swap3A_720 {strides = array<i32>} : memref<1x3x1x16xf32, #tpu.memory_space<vmem>>, vector<1x1x1x16xf32>,
          %swap3A_721 = arith.constant 0 : i32
          %swap3A_722 = arith.constant 1 : i32
          %swap3A_723 = arith.constant 0 : i32
          %swap3A_724 = arith.constant 0 : i32
          %swap3A_725 = arith.constant 0 : i32
          %swap3A_726 = arith.constant 0 : i32
          %swap3A_727 = arith.constant 0 : i32
          %swap3A_728 = tpu.memref_slice %run_scoped3A_10[%rem3A_520, %swap3A_724, %swap3A_725, %swap3A_726, %swap3A_727] : memref<2x1x3x1x16xf32, #tpu.memory_space<vmem>> -> memref<1x1x3x1x16xf32, #tpu.memory_space<vmem>>
          %swap3A_729 = tpu.memref_squeeze %swap3A_728 : memref<1x1x3x1x16xf32, #tpu.memory_space<vmem>> -> memref<1x3x1x16xf32, #tpu.memory_space<vmem>>
          %swap3A_730 = arith.index_cast %swap3A_721 : i32 to index
          %swap3A_731 = arith.index_cast %swap3A_722 : i32 to index
          %swap3A_732 = arith.index_cast %swap3A_723 : i32 to index
          %swap3A_733 = arith.constant 0 : index
          %swap3A_734 = tpu.vector_load %swap3A_729[%swap3A_730, %swap3A_731, %swap3A_732, %swap3A_733] {strides = array<i32>} : memref<1x3x1x16xf32, #tpu.memory_space<vmem>>, vector<1x1x1x16xf32>,
          %swap3A_735 = vector.shape_cast %swap3A_734 : vector<1x1x1x16xf32> to vector<16xf32>
          %swap3A_736 = vector.shape_cast %broadcast_in_dim3A_705 : vector<16xf32> to vector<1x1x1x16xf32>
          tpu.vector_store %swap3A_729[%swap3A_730, %swap3A_731, %swap3A_732, %swap3A_733], %swap3A_736 {strides = array<i32>} : memref<1x3x1x16xf32, #tpu.memory_space<vmem>>, vector<1x1x1x16xf32>,
          %swap3A_737 = arith.constant 0 : i32
          %swap3A_738 = arith.constant 2 : i32
          %swap3A_739 = arith.constant 0 : i32
          %swap3A_740 = arith.constant 0 : i32
          %swap3A_741 = arith.constant 0 : i32
          %swap3A_742 = arith.constant 0 : i32
          %swap3A_743 = arith.constant 0 : i32
          %swap3A_744 = tpu.memref_slice %run_scoped3A_10[%rem3A_520, %swap3A_740, %swap3A_741, %swap3A_742, %swap3A_743] : memref<2x1x3x1x16xf32, #tpu.memory_space<vmem>> -> memref<1x1x3x1x16xf32, #tpu.memory_space<vmem>>
          %swap3A_745 = tpu.memref_squeeze %swap3A_744 : memref<1x1x3x1x16xf32, #tpu.memory_space<vmem>> -> memref<1x3x1x16xf32, #tpu.memory_space<vmem>>
          %swap3A_746 = arith.index_cast %swap3A_737 : i32 to index
          %swap3A_747 = arith.index_cast %swap3A_738 : i32 to index
          %swap3A_748 = arith.index_cast %swap3A_739 : i32 to index
          %swap3A_749 = arith.constant 0 : index
          %swap3A_750 = tpu.vector_load %swap3A_745[%swap3A_746, %swap3A_747, %swap3A_748, %swap3A_749] {strides = array<i32>} : memref<1x3x1x16xf32, #tpu.memory_space<vmem>>, vector<1x1x1x16xf32>,
          %swap3A_751 = vector.shape_cast %swap3A_750 : vector<1x1x1x16xf32> to vector<16xf32>
          %swap3A_752 = vector.shape_cast %broadcast_in_dim3A_705 : vector<16xf32> to vector<1x1x1x16xf32>
          tpu.vector_store %swap3A_745[%swap3A_746, %swap3A_747, %swap3A_748, %swap3A_749], %swap3A_752 {strides = array<i32>} : memref<1x3x1x16xf32, #tpu.memory_space<vmem>>, vector<1x1x1x16xf32>,
        } else {
        }
        %scan3A_526 = arith.constant 0 : i32
        %scan3A_527 = arith.constant 104 : i32
        %scan3A_528 = arith.addi %scan3A_526, %scan3A_527 : i32
        %scan3A_529 = arith.constant 1 : i32
        scf.for %scan3A_705 = %scan3A_526 to %scan3A_528 step %scan3A_529  : i32 {
          %mul3A_706 = arith.constant 1 : i32
          %mul3A_707 = arith.muli %scan3A_705, %mul3A_706 : i32
          %add3A_708 = arith.constant 0 : i32
          %add3A_709 = arith.addi %add3A_708, %mul3A_707 : i32
          %get3A = arith.constant 0 : i32
          %get3A_710 = arith.constant 0 : i32
          %get3A_711 = arith.constant 0 : i32
          %get3A_712 = arith.constant 0 : i32
          %get3A_713 = arith.constant 0 : i32
          %get3A_714 = arith.constant 0 : i32
          %get3A_715 = tpu.memref_slice %run_scoped3A[%rem3A_516, %get3A_711, %get3A_712, %get3A_713, %get3A_714] : memref<2x1x104x1x16xf32, #tpu.memory_space<vmem>> -> memref<1x1x104x1x16xf32, #tpu.memory_space<vmem>>
          %get3A_716 = tpu.memref_squeeze %get3A_715 : memref<1x1x104x1x16xf32, #tpu.memory_space<vmem>> -> memref<1x104x1x16xf32, #tpu.memory_space<vmem>>
          %get3A_717 = arith.index_cast %get3A : i32 to index
          %get3A_718 = arith.index_cast %add3A_709 : i32 to index
          %get3A_719 = arith.index_cast %get3A_710 : i32 to index
          %get3A_720 = arith.constant 0 : index
          %get3A_721 = tpu.vector_load %get3A_716[%get3A_717, %get3A_718, %get3A_719, %get3A_720] {strides = array<i32>} : memref<1x104x1x16xf32, #tpu.memory_space<vmem>>, vector<1x1x1x16xf32>,
          %get3A_722 = vector.shape_cast %get3A_721 : vector<1x1x1x16xf32> to vector<16xf32>
          %get3A_723 = arith.constant 0 : i32
          %get3A_724 = arith.constant 0 : i32
          %get3A_725 = arith.constant 0 : i32
          %get3A_726 = arith.constant 0 : i32
          %get3A_727 = arith.constant 0 : i32
          %get3A_728 = arith.constant 0 : i32
          %get3A_729 = tpu.memref_slice %run_scoped3A_8[%rem3A_518, %get3A_725, %get3A_726, %get3A_727, %get3A_728] : memref<2x1x104x1x16xf32, #tpu.memory_space<vmem>> -> memref<1x1x104x1x16xf32, #tpu.memory_space<vmem>>
          %get3A_730 = tpu.memref_squeeze %get3A_729 : memref<1x1x104x1x16xf32, #tpu.memory_space<vmem>> -> memref<1x104x1x16xf32, #tpu.memory_space<vmem>>
          %get3A_731 = arith.index_cast %get3A_723 : i32 to index
          %get3A_732 = arith.index_cast %add3A_709 : i32 to index
          %get3A_733 = arith.index_cast %get3A_724 : i32 to index
          %get3A_734 = arith.constant 0 : index
          %get3A_735 = tpu.vector_load %get3A_730[%get3A_731, %get3A_732, %get3A_733, %get3A_734] {strides = array<i32>} : memref<1x104x1x16xf32, #tpu.memory_space<vmem>>, vector<1x1x1x16xf32>,
          %get3A_736 = vector.shape_cast %get3A_735 : vector<1x1x1x16xf32> to vector<16xf32>
          %get3A_737 = arith.constant 0 : i32
          %get3A_738 = arith.constant 0 : i32
          %get3A_739 = arith.constant 0 : i32
          %get3A_740 = arith.constant 0 : i32
          %get3A_741 = arith.constant 0 : i32
          %get3A_742 = arith.constant 0 : i32
          %get3A_743 = arith.constant 0 : i32
          %get3A_744 = tpu.memref_slice %run_scoped3A_10[%rem3A_520, %get3A_740, %get3A_741, %get3A_742, %get3A_743] : memref<2x1x3x1x16xf32, #tpu.memory_space<vmem>> -> memref<1x1x3x1x16xf32, #tpu.memory_space<vmem>>
          %get3A_745 = tpu.memref_squeeze %get3A_744 : memref<1x1x3x1x16xf32, #tpu.memory_space<vmem>> -> memref<1x3x1x16xf32, #tpu.memory_space<vmem>>
          %get3A_746 = arith.index_cast %get3A_737 : i32 to index
          %get3A_747 = arith.index_cast %get3A_738 : i32 to index
          %get3A_748 = arith.index_cast %get3A_739 : i32 to index
          %get3A_749 = arith.constant 0 : index
          %get3A_750 = tpu.vector_load %get3A_745[%get3A_746, %get3A_747, %get3A_748, %get3A_749] {strides = array<i32>} : memref<1x3x1x16xf32, #tpu.memory_space<vmem>>, vector<1x1x1x16xf32>,
          %get3A_751 = vector.shape_cast %get3A_750 : vector<1x1x1x16xf32> to vector<16xf32>
          %exp3A = math.exp %get3A_722 : vector<16xf32>
          %add3A_752 = arith.addf %get3A_751, %exp3A : vector<16xf32>
          %swap3A = arith.constant 0 : i32
          %swap3A_753 = arith.constant 0 : i32
          %swap3A_754 = arith.constant 0 : i32
          %swap3A_755 = arith.constant 0 : i32
          %swap3A_756 = arith.constant 0 : i32
          %swap3A_757 = arith.constant 0 : i32
          %swap3A_758 = arith.constant 0 : i32
          %swap3A_759 = tpu.memref_slice %run_scoped3A_10[%rem3A_520, %swap3A_755, %swap3A_756, %swap3A_757, %swap3A_758] : memref<2x1x3x1x16xf32, #tpu.memory_space<vmem>> -> memref<1x1x3x1x16xf32, #tpu.memory_space<vmem>>
          %swap3A_760 = tpu.memref_squeeze %swap3A_759 : memref<1x1x3x1x16xf32, #tpu.memory_space<vmem>> -> memref<1x3x1x16xf32, #tpu.memory_space<vmem>>
          %swap3A_761 = arith.index_cast %swap3A : i32 to index
          %swap3A_762 = arith.index_cast %swap3A_753 : i32 to index
          %swap3A_763 = arith.index_cast %swap3A_754 : i32 to index
          %swap3A_764 = arith.constant 0 : index
          %swap3A_765 = tpu.vector_load %swap3A_760[%swap3A_761, %swap3A_762, %swap3A_763, %swap3A_764] {strides = array<i32>} : memref<1x3x1x16xf32, #tpu.memory_space<vmem>>, vector<1x1x1x16xf32>,
          %swap3A_766 = vector.shape_cast %swap3A_765 : vector<1x1x1x16xf32> to vector<16xf32>
          %swap3A_767 = vector.shape_cast %add3A_752 : vector<16xf32> to vector<1x1x1x16xf32>
          tpu.vector_store %swap3A_760[%swap3A_761, %swap3A_762, %swap3A_763, %swap3A_764], %swap3A_767 {strides = array<i32>} : memref<1x3x1x16xf32, #tpu.memory_space<vmem>>, vector<1x1x1x16xf32>,
          %get3A_768 = arith.constant 0 : i32
          %get3A_769 = arith.constant 1 : i32
          %get3A_770 = arith.constant 0 : i32
          %get3A_771 = arith.constant 0 : i32
          %get3A_772 = arith.constant 0 : i32
          %get3A_773 = arith.constant 0 : i32
          %get3A_774 = arith.constant 0 : i32
          %get3A_775 = tpu.memref_slice %run_scoped3A_10[%rem3A_520, %get3A_771, %get3A_772, %get3A_773, %get3A_774] : memref<2x1x3x1x16xf32, #tpu.memory_space<vmem>> -> memref<1x1x3x1x16xf32, #tpu.memory_space<vmem>>
          %get3A_776 = tpu.memref_squeeze %get3A_775 : memref<1x1x3x1x16xf32, #tpu.memory_space<vmem>> -> memref<1x3x1x16xf32, #tpu.memory_space<vmem>>
          %get3A_777 = arith.index_cast %get3A_768 : i32 to index
          %get3A_778 = arith.index_cast %get3A_769 : i32 to index
          %get3A_779 = arith.index_cast %get3A_770 : i32 to index
          %get3A_780 = arith.constant 0 : index
          %get3A_781 = tpu.vector_load %get3A_776[%get3A_777, %get3A_778, %get3A_779, %get3A_780] {strides = array<i32>} : memref<1x3x1x16xf32, #tpu.memory_space<vmem>>, vector<1x1x1x16xf32>,
          %get3A_782 = vector.shape_cast %get3A_781 : vector<1x1x1x16xf32> to vector<16xf32>
          %add3A_783 = arith.addf %get3A_782, %get3A_736 : vector<16xf32>
          %swap3A_784 = arith.constant 0 : i32
          %swap3A_785 = arith.constant 1 : i32
          %swap3A_786 = arith.constant 0 : i32
          %swap3A_787 = arith.constant 0 : i32
          %swap3A_788 = arith.constant 0 : i32
          %swap3A_789 = arith.constant 0 : i32
          %swap3A_790 = arith.constant 0 : i32
          %swap3A_791 = tpu.memref_slice %run_scoped3A_10[%rem3A_520, %swap3A_787, %swap3A_788, %swap3A_789, %swap3A_790] : memref<2x1x3x1x16xf32, #tpu.memory_space<vmem>> -> memref<1x1x3x1x16xf32, #tpu.memory_space<vmem>>
          %swap3A_792 = tpu.memref_squeeze %swap3A_791 : memref<1x1x3x1x16xf32, #tpu.memory_space<vmem>> -> memref<1x3x1x16xf32, #tpu.memory_space<vmem>>
          %swap3A_793 = arith.index_cast %swap3A_784 : i32 to index
          %swap3A_794 = arith.index_cast %swap3A_785 : i32 to index
          %swap3A_795 = arith.index_cast %swap3A_786 : i32 to index
          %swap3A_796 = arith.constant 0 : index
          %swap3A_797 = tpu.vector_load %swap3A_792[%swap3A_793, %swap3A_794, %swap3A_795, %swap3A_796] {strides = array<i32>} : memref<1x3x1x16xf32, #tpu.memory_space<vmem>>, vector<1x1x1x16xf32>,
          %swap3A_798 = vector.shape_cast %swap3A_797 : vector<1x1x1x16xf32> to vector<16xf32>
          %swap3A_799 = vector.shape_cast %add3A_783 : vector<16xf32> to vector<1x1x1x16xf32>
          tpu.vector_store %swap3A_792[%swap3A_793, %swap3A_794, %swap3A_795, %swap3A_796], %swap3A_799 {strides = array<i32>} : memref<1x3x1x16xf32, #tpu.memory_space<vmem>>, vector<1x1x1x16xf32>,
          %get3A_800 = arith.constant 0 : i32
          %get3A_801 = arith.constant 2 : i32
          %get3A_802 = arith.constant 0 : i32
          %get3A_803 = arith.constant 0 : i32
          %get3A_804 = arith.constant 0 : i32
          %get3A_805 = arith.constant 0 : i32
          %get3A_806 = arith.constant 0 : i32
          %get3A_807 = tpu.memref_slice %run_scoped3A_10[%rem3A_520, %get3A_803, %get3A_804, %get3A_805, %get3A_806] : memref<2x1x3x1x16xf32, #tpu.memory_space<vmem>> -> memref<1x1x3x1x16xf32, #tpu.memory_space<vmem>>
          %get3A_808 = tpu.memref_squeeze %get3A_807 : memref<1x1x3x1x16xf32, #tpu.memory_space<vmem>> -> memref<1x3x1x16xf32, #tpu.memory_space<vmem>>
          %get3A_809 = arith.index_cast %get3A_800 : i32 to index
          %get3A_810 = arith.index_cast %get3A_801 : i32 to index
          %get3A_811 = arith.index_cast %get3A_802 : i32 to index
          %get3A_812 = arith.constant 0 : index
          %get3A_813 = tpu.vector_load %get3A_808[%get3A_809, %get3A_810, %get3A_811, %get3A_812] {strides = array<i32>} : memref<1x3x1x16xf32, #tpu.memory_space<vmem>>, vector<1x1x1x16xf32>,
          %get3A_814 = vector.shape_cast %get3A_813 : vector<1x1x1x16xf32> to vector<16xf32>
          %mul3A_815 = arith.mulf %get3A_736, %get3A_722 : vector<16xf32>
          %add3A_816 = arith.addf %get3A_814, %mul3A_815 : vector<16xf32>
          %swap3A_817 = arith.constant 0 : i32
          %swap3A_818 = arith.constant 2 : i32
          %swap3A_819 = arith.constant 0 : i32
          %swap3A_820 = arith.constant 0 : i32
          %swap3A_821 = arith.constant 0 : i32
          %swap3A_822 = arith.constant 0 : i32
          %swap3A_823 = arith.constant 0 : i32
          %swap3A_824 = tpu.memref_slice %run_scoped3A_10[%rem3A_520, %swap3A_820, %swap3A_821, %swap3A_822, %swap3A_823] : memref<2x1x3x1x16xf32, #tpu.memory_space<vmem>> -> memref<1x1x3x1x16xf32, #tpu.memory_space<vmem>>
          %swap3A_825 = tpu.memref_squeeze %swap3A_824 : memref<1x1x3x1x16xf32, #tpu.memory_space<vmem>> -> memref<1x3x1x16xf32, #tpu.memory_space<vmem>>
          %swap3A_826 = arith.index_cast %swap3A_817 : i32 to index
          %swap3A_827 = arith.index_cast %swap3A_818 : i32 to index
          %swap3A_828 = arith.index_cast %swap3A_819 : i32 to index
          %swap3A_829 = arith.constant 0 : index
          %swap3A_830 = tpu.vector_load %swap3A_825[%swap3A_826, %swap3A_827, %swap3A_828, %swap3A_829] {strides = array<i32>} : memref<1x3x1x16xf32, #tpu.memory_space<vmem>>, vector<1x1x1x16xf32>,
          %swap3A_831 = vector.shape_cast %swap3A_830 : vector<1x1x1x16xf32> to vector<16xf32>
          %swap3A_832 = vector.shape_cast %add3A_816 : vector<16xf32> to vector<1x1x1x16xf32>
          tpu.vector_store %swap3A_825[%swap3A_826, %swap3A_827, %swap3A_828, %swap3A_829], %swap3A_832 {strides = array<i32>} : memref<1x3x1x16xf32, #tpu.memory_space<vmem>>, vector<1x1x1x16xf32>,
        }
        %scan3A_530 = arith.constant 104 : i32
        "tpu.trace_stop"() : () -> ()
        %add3A_531 = arith.constant 48 : i32
        %add3A_532 = arith.addi %add3A_324, %add3A_531 : i32
        %add3A_533 = arith.constant 48 : i32
        %add3A_534 = arith.addi %add3A_378, %add3A_533 : i32
        %ne3A_535 = arith.cmpi ne, %add3A_532, %add3A_534 : i32
        %ne3A_536 = arith.cmpi ne, %add3A_327, %add3A_381 : i32
        %ne3A_537 = arith.cmpi ne, %add3A_325, %add3A_379 : i32
        %or3A_538 = arith.constant false
        %or3A_539 = arith.ori %or3A_538, %ne3A_535 : i1
        %or3A_540 = arith.ori %or3A_539, %ne3A_536 : i1
        %or3A_541 = arith.ori %or3A_540, %ne3A_537 : i1
        %or3A_542 = arith.constant false
        %or3A_543 = arith.ori %or3A_541, %or3A_542 : i1
        %or3A_544 = arith.ori %or3A_543, %eq3A_322 : i1
        %convert_element_type3A_545 = arith.extui %or3A_544 : i1 to i32
        %cond3A_546 = arith.constant 0 : i32
        %cond3A_547 = arith.cmpi ne, %convert_element_type3A_545, %cond3A_546 : i32
        scf.if %cond3A_547 {
        } else {
        }
        %and3A_548 = arith.constant false
        %and3A_549 = arith.andi %or3A_544, %and3A_548 : i1
        %add3A_550 = arith.constant 48 : i32
        %add3A_551 = arith.addi %add3A_324, %add3A_550 : i32
        %add3A_552 = arith.constant 48 : i32
        %add3A_553 = arith.addi %add3A_378, %add3A_552 : i32
        %ne3A_554 = arith.cmpi ne, %add3A_551, %add3A_553 : i32
        %ne3A_555 = arith.cmpi ne, %add3A_327, %add3A_381 : i32
        %ne3A_556 = arith.cmpi ne, %add3A_325, %add3A_379 : i32
        %or3A_557 = arith.constant false
        %or3A_558 = arith.ori %or3A_557, %ne3A_554 : i1
        %or3A_559 = arith.ori %or3A_558, %ne3A_555 : i1
        %or3A_560 = arith.ori %or3A_559, %ne3A_556 : i1
        %or3A_561 = arith.constant false
        %or3A_562 = arith.ori %or3A_560, %or3A_561 : i1
        %or3A_563 = arith.ori %or3A_562, %eq3A_322 : i1
        %convert_element_type3A_564 = arith.extui %or3A_563 : i1 to i32
        %cond3A_565 = arith.constant 0 : i32
        %cond3A_566 = arith.cmpi ne, %convert_element_type3A_564, %cond3A_565 : i32
        scf.if %cond3A_566 {
        } else {
        }
        %and3A_567 = arith.constant false
        %and3A_568 = arith.andi %or3A_563, %and3A_567 : i1
        %ne3A_569 = arith.cmpi ne, %add3A_324, %add3A_378 : i32
        %ne3A_570 = arith.cmpi ne, %add3A_325, %add3A_379 : i32
        %or3A_571 = arith.constant false
        %or3A_572 = arith.ori %or3A_571, %ne3A_569 : i1
        %or3A_573 = arith.constant false
        %or3A_574 = arith.ori %or3A_572, %or3A_573 : i1
        %or3A_575 = arith.ori %or3A_574, %ne3A_570 : i1
        %or3A_576 = arith.constant false
        %or3A_577 = arith.ori %or3A_575, %or3A_576 : i1
        %or3A_578 = arith.ori %or3A_577, %eq3A_322 : i1
        %convert_element_type3A_579 = arith.extui %or3A_578 : i1 to i32
        %cond3A_580 = arith.constant 0 : i32
        %cond3A_581 = arith.cmpi ne, %convert_element_type3A_579, %cond3A_580 : i32
        scf.if %cond3A_581 {
          "tpu.trace_start"() <{level = 10 : i32, message = "ep_copy_out"}> : () -> ()
          %rem3A_705 = arith.constant 2 : i32
          %rem3A_706 = arith.remui %scan3A_314, %rem3A_705 : i32
          %mul3A_707 = arith.constant 1 : i32
          %mul3A_708 = arith.muli %mul3A_707, %add3A_324 : i32
          %mul3A_709 = arith.constant 1 : i32
          %mul3A_710 = arith.muli %mul3A_709, %add3A_325 : i32
          %dma_start3A_711 = arith.constant 0 : i32
          %dma_start3A_712 = arith.constant 0 : i32
          %dma_start3A_713 = arith.constant 0 : i32
          %dma_start3A_714 = arith.constant 0 : i32
          %dma_start3A_715 = tpu.memref_slice %run_scoped3A_10[%rem3A_706, %dma_start3A_711, %dma_start3A_712, %dma_start3A_713, %dma_start3A_714] : memref<2x1x3x1x16xf32, #tpu.memory_space<vmem>> -> memref<1x1x3x1x16xf32, #tpu.memory_space<vmem>>
          %dma_start3A_716 = tpu.memref_squeeze %dma_start3A_715 : memref<1x1x3x1x16xf32, #tpu.memory_space<vmem>> -> memref<1x3x1x16xf32, #tpu.memory_space<vmem>>
          %dma_start3A_717 = arith.constant 0 : i32
          %dma_start3A_718 = arith.constant 0 : i32
          %dma_start3A_719 = tpu.memref_slice %arg4[%mul3A_708, %dma_start3A_717, %mul3A_710, %dma_start3A_718] : memref<16x3x256x16xf32, #tpu.memory_space<hbm>> -> memref<1x3x1x16xf32, #tpu.memory_space<hbm>>
          %dma_start3A_720 = tpu.memref_slice %run_scoped3A_11[%rem3A_706] : memref<2x!tpu.dma_semaphore, #tpu.memory_space<semaphore_mem>> -> memref<1x!tpu.dma_semaphore, #tpu.memory_space<semaphore_mem>>
          %dma_start3A_721 = tpu.memref_squeeze %dma_start3A_720 : memref<1x!tpu.dma_semaphore, #tpu.memory_space<semaphore_mem>> -> memref<!tpu.dma_semaphore, #tpu.memory_space<semaphore_mem>>
          %dma_start3A_722 = arith.constant 0 : i32
          %dma_start3A_723 = arith.constant 0 : i32
          %dma_start3A_724 = tpu.memref_slice %arg4[%mul3A_708, %dma_start3A_722, %mul3A_710, %dma_start3A_723] : memref<16x3x256x16xf32, #tpu.memory_space<hbm>> -> memref<1x3x1x16xf32, #tpu.memory_space<hbm>>
          %dma_start3A_725 = arith.constant 0 : i32
          %dma_start3A_726 = arith.constant 0 : i32
          %dma_start3A_727 = arith.constant 0 : i32
          %dma_start3A_728 = arith.constant 0 : i32
          %dma_start3A_729 = tpu.memref_slice %run_scoped3A_10[%rem3A_706, %dma_start3A_725, %dma_start3A_726, %dma_start3A_727, %dma_start3A_728] : memref<2x1x3x1x16xf32, #tpu.memory_space<vmem>> -> memref<1x1x3x1x16xf32, #tpu.memory_space<vmem>>
          %dma_start3A_730 = tpu.memref_squeeze %dma_start3A_729 : memref<1x1x3x1x16xf32, #tpu.memory_space<vmem>> -> memref<1x3x1x16xf32, #tpu.memory_space<vmem>>
          tpu.enqueue_dma source(%dma_start3A_730 : memref<1x3x1x16xf32, #tpu.memory_space<vmem>>) target(%dma_start3A_724 : memref<1x3x1x16xf32, #tpu.memory_space<hbm>>) target_semaphore(%dma_start3A_721 : memref<!tpu.dma_semaphore, #tpu.memory_space<semaphore_mem>>)
          "tpu.trace_stop"() : () -> ()
        } else {
        }
        %and3A_582 = arith.constant true
        %and3A_583 = arith.andi %or3A_578, %and3A_582 : i1
        %add3A_584 = arith.constant 1 : i32
        %add3A_585 = arith.addi %scan3A_314, %add3A_584 : i32
        %select_n3A_586 = arith.select %and3A_583, %add3A_585, %scan3A_314 : i32
        %add3A_587 = arith.constant 48 : i32
        %add3A_588 = arith.addi %add3A_324, %add3A_587 : i32
        %add3A_589 = arith.constant 48 : i32
        %add3A_590 = arith.addi %add3A_351, %add3A_589 : i32
        %ne3A_591 = arith.cmpi ne, %add3A_588, %add3A_590 : i32
        %ne3A_592 = arith.cmpi ne, %add3A_327, %add3A_354 : i32
        %ne3A_593 = arith.cmpi ne, %add3A_325, %add3A_352 : i32
        %or3A_594 = arith.constant false
        %or3A_595 = arith.ori %or3A_594, %ne3A_591 : i1
        %or3A_596 = arith.ori %or3A_595, %ne3A_592 : i1
        %or3A_597 = arith.ori %or3A_596, %ne3A_593 : i1
        %or3A_598 = arith.constant false
        %or3A_599 = arith.ori %or3A_597, %or3A_598 : i1
        %not3A_600 = arith.constant true
        %not3A_601 = arith.xori %eq3A_320, %not3A_600 : i1
        %and3A_602 = arith.andi %or3A_599, %not3A_601 : i1
        %convert_element_type3A_603 = arith.extui %and3A_602 : i1 to i32
        %cond3A_604 = arith.constant 0 : i32
        %cond3A_605 = arith.cmpi ne, %convert_element_type3A_603, %cond3A_604 : i32
        scf.if %cond3A_605 {
        } else {
        }
        %and3A_606 = arith.constant false
        %and3A_607 = arith.andi %and3A_602, %and3A_606 : i1
        %add3A_608 = arith.constant 48 : i32
        %add3A_609 = arith.addi %add3A_324, %add3A_608 : i32
        %add3A_610 = arith.constant 48 : i32
        %add3A_611 = arith.addi %add3A_351, %add3A_610 : i32
        %ne3A_612 = arith.cmpi ne, %add3A_609, %add3A_611 : i32
        %ne3A_613 = arith.cmpi ne, %add3A_327, %add3A_354 : i32
        %ne3A_614 = arith.cmpi ne, %add3A_325, %add3A_352 : i32
        %or3A_615 = arith.constant false
        %or3A_616 = arith.ori %or3A_615, %ne3A_612 : i1
        %or3A_617 = arith.ori %or3A_616, %ne3A_613 : i1
        %or3A_618 = arith.ori %or3A_617, %ne3A_614 : i1
        %or3A_619 = arith.constant false
        %or3A_620 = arith.ori %or3A_618, %or3A_619 : i1
        %not3A_621 = arith.constant true
        %not3A_622 = arith.xori %eq3A_320, %not3A_621 : i1
        %and3A_623 = arith.andi %or3A_620, %not3A_622 : i1
        %convert_element_type3A_624 = arith.extui %and3A_623 : i1 to i32
        %cond3A_625 = arith.constant 0 : i32
        %cond3A_626 = arith.cmpi ne, %convert_element_type3A_624, %cond3A_625 : i32
        scf.if %cond3A_626 {
        } else {
        }
        %and3A_627 = arith.constant false
        %and3A_628 = arith.andi %and3A_623, %and3A_627 : i1
        %ne3A_629 = arith.cmpi ne, %add3A_324, %add3A_351 : i32
        %ne3A_630 = arith.cmpi ne, %add3A_325, %add3A_352 : i32
        %or3A_631 = arith.constant false
        %or3A_632 = arith.ori %or3A_631, %ne3A_629 : i1
        %or3A_633 = arith.constant false
        %or3A_634 = arith.ori %or3A_632, %or3A_633 : i1
        %or3A_635 = arith.ori %or3A_634, %ne3A_630 : i1
        %or3A_636 = arith.constant false
        %or3A_637 = arith.ori %or3A_635, %or3A_636 : i1
        %not3A_638 = arith.constant true
        %not3A_639 = arith.xori %eq3A_320, %not3A_638 : i1
        %and3A_640 = arith.andi %or3A_637, %not3A_639 : i1
        %convert_element_type3A_641 = arith.extui %and3A_640 : i1 to i32
        %cond3A_642 = arith.constant 0 : i32
        %cond3A_643 = arith.cmpi ne, %convert_element_type3A_641, %cond3A_642 : i32
        scf.if %cond3A_643 {
          "tpu.trace_start"() <{level = 10 : i32, message = "ep_wait_out"}> : () -> ()
          %rem3A_705 = arith.constant 2 : i32
          %rem3A_706 = arith.remui %scan3A_315, %rem3A_705 : i32
          %mul3A_707 = arith.constant 1 : i32
          %mul3A_708 = arith.muli %mul3A_707, %add3A_351 : i32
          %mul3A_709 = arith.constant 1 : i32
          %mul3A_710 = arith.muli %mul3A_709, %add3A_352 : i32
          %dma_wait3A_711 = arith.constant 0 : i32
          %dma_wait3A_712 = arith.constant 0 : i32
          %dma_wait3A_713 = arith.constant 0 : i32
          %dma_wait3A_714 = arith.constant 0 : i32
          %dma_wait3A_715 = tpu.memref_slice %run_scoped3A_10[%rem3A_706, %dma_wait3A_711, %dma_wait3A_712, %dma_wait3A_713, %dma_wait3A_714] : memref<2x1x3x1x16xf32, #tpu.memory_space<vmem>> -> memref<1x1x3x1x16xf32, #tpu.memory_space<vmem>>
          %dma_wait3A_716 = tpu.memref_squeeze %dma_wait3A_715 : memref<1x1x3x1x16xf32, #tpu.memory_space<vmem>> -> memref<1x3x1x16xf32, #tpu.memory_space<vmem>>
          %dma_wait3A_717 = arith.constant 0 : i32
          %dma_wait3A_718 = arith.constant 0 : i32
          %dma_wait3A_719 = tpu.memref_slice %arg4[%mul3A_708, %dma_wait3A_717, %mul3A_710, %dma_wait3A_718] : memref<16x3x256x16xf32, #tpu.memory_space<hbm>> -> memref<1x3x1x16xf32, #tpu.memory_space<hbm>>
          %dma_wait3A_720 = tpu.memref_slice %run_scoped3A_11[%rem3A_706] : memref<2x!tpu.dma_semaphore, #tpu.memory_space<semaphore_mem>> -> memref<1x!tpu.dma_semaphore, #tpu.memory_space<semaphore_mem>>
          %dma_wait3A_721 = tpu.memref_squeeze %dma_wait3A_720 : memref<1x!tpu.dma_semaphore, #tpu.memory_space<semaphore_mem>> -> memref<!tpu.dma_semaphore, #tpu.memory_space<semaphore_mem>>
          %dma_wait3A_722 = arith.constant 0 : i32
          %dma_wait3A_723 = arith.constant 0 : i32
          %dma_wait3A_724 = tpu.memref_slice %arg4[%mul3A_708, %dma_wait3A_722, %mul3A_710, %dma_wait3A_723] : memref<16x3x256x16xf32, #tpu.memory_space<hbm>> -> memref<1x3x1x16xf32, #tpu.memory_space<hbm>>
          %dma_wait3A_725 = arith.constant 0 : i32
          %dma_wait3A_726 = arith.constant 0 : i32
          %dma_wait3A_727 = arith.constant 0 : i32
          %dma_wait3A_728 = arith.constant 0 : i32
          %dma_wait3A_729 = tpu.memref_slice %run_scoped3A_10[%rem3A_706, %dma_wait3A_725, %dma_wait3A_726, %dma_wait3A_727, %dma_wait3A_728] : memref<2x1x3x1x16xf32, #tpu.memory_space<vmem>> -> memref<1x1x3x1x16xf32, #tpu.memory_space<vmem>>
          %dma_wait3A_730 = tpu.memref_squeeze %dma_wait3A_729 : memref<1x1x3x1x16xf32, #tpu.memory_space<vmem>> -> memref<1x3x1x16xf32, #tpu.memory_space<vmem>>
          tpu.wait_dma2 semaphore(%dma_wait3A_721 : memref<!tpu.dma_semaphore, #tpu.memory_space<semaphore_mem>>) src(%dma_wait3A_730 : memref<1x3x1x16xf32, #tpu.memory_space<vmem>>) dst(%dma_wait3A_724 : memref<1x3x1x16xf32, #tpu.memory_space<hbm>>)
          "tpu.trace_stop"() : () -> ()
        } else {
        }
        %and3A_644 = arith.constant true
        %and3A_645 = arith.andi %and3A_640, %and3A_644 : i1
        %add3A_646 = arith.constant 1 : i32
        %add3A_647 = arith.addi %scan3A_315, %add3A_646 : i32
        %select_n3A_648 = arith.select %and3A_645, %add3A_647, %scan3A_315 : i32
        %add3A_649 = arith.constant 48 : i32
        %add3A_650 = arith.addi %add3A_324, %add3A_649 : i32
        %add3A_651 = arith.constant 48 : i32
        %add3A_652 = arith.addi %add3A_378, %add3A_651 : i32
        %ne3A_653 = arith.cmpi ne, %add3A_650, %add3A_652 : i32
        %ne3A_654 = arith.cmpi ne, %add3A_327, %add3A_381 : i32
        %ne3A_655 = arith.cmpi ne, %add3A_325, %add3A_379 : i32
        %or3A_656 = arith.constant false
        %or3A_657 = arith.ori %or3A_656, %ne3A_653 : i1
        %or3A_658 = arith.ori %or3A_657, %ne3A_654 : i1
        %or3A_659 = arith.ori %or3A_658, %ne3A_655 : i1
        %or3A_660 = arith.constant false
        %or3A_661 = arith.ori %or3A_659, %or3A_660 : i1
        %or3A_662 = arith.ori %or3A_661, %eq3A_322 : i1
        %add3A_663 = arith.constant 1 : i32
        %add3A_664 = arith.addi %scan3A_311, %add3A_663 : i32
        %select_n3A_665 = arith.select %or3A_662, %add3A_664, %scan3A_311 : i32
        %add3A_666 = arith.constant 48 : i32
        %add3A_667 = arith.addi %add3A_324, %add3A_666 : i32
        %add3A_668 = arith.constant 48 : i32
        %add3A_669 = arith.addi %add3A_378, %add3A_668 : i32
        %ne3A_670 = arith.cmpi ne, %add3A_667, %add3A_669 : i32
        %ne3A_671 = arith.cmpi ne, %add3A_327, %add3A_381 : i32
        %ne3A_672 = arith.cmpi ne, %add3A_325, %add3A_379 : i32
        %or3A_673 = arith.constant false
        %or3A_674 = arith.ori %or3A_673, %ne3A_670 : i1
        %or3A_675 = arith.ori %or3A_674, %ne3A_671 : i1
        %or3A_676 = arith.ori %or3A_675, %ne3A_672 : i1
        %or3A_677 = arith.constant false
        %or3A_678 = arith.ori %or3A_676, %or3A_677 : i1
        %or3A_679 = arith.ori %or3A_678, %eq3A_322 : i1
        %add3A_680 = arith.constant 1 : i32
        %add3A_681 = arith.addi %scan3A_313, %add3A_680 : i32
        %select_n3A_682 = arith.select %or3A_679, %add3A_681, %scan3A_313 : i32
        %add3A_683 = arith.constant 1 : i32
        %add3A_684 = arith.addi %scan3A_318, %add3A_683 : i32
        %select_n3A_685 = arith.constant true
        %select_n3A_686 = arith.select %select_n3A_685, %add3A_684, %scan3A_318 : i32
        %eq3A_687 = arith.constant 3 : i32
        %eq3A_688 = arith.cmpi eq, %select_n3A_686, %eq3A_687 : i32
        %select_n3A_689 = arith.constant 0 : i32
        %select_n3A_690 = arith.select %eq3A_688, %select_n3A_689, %select_n3A_686 : i32
        %add3A_691 = arith.constant 1 : i32
        %add3A_692 = arith.addi %scan3A_317, %add3A_691 : i32
        %select_n3A_693 = arith.select %eq3A_688, %add3A_692, %scan3A_317 : i32
        %eq3A_694 = arith.constant 8 : i32
        %eq3A_695 = arith.cmpi eq, %select_n3A_693, %eq3A_694 : i32
        %select_n3A_696 = arith.constant 0 : i32
        %select_n3A_697 = arith.select %eq3A_695, %select_n3A_696, %select_n3A_693 : i32
        %add3A_698 = arith.constant 1 : i32
        %add3A_699 = arith.addi %scan3A_316, %add3A_698 : i32
        %select_n3A_700 = arith.select %eq3A_695, %add3A_699, %scan3A_316 : i32
        %eq3A_701 = arith.constant 16 : i32
        %eq3A_702 = arith.cmpi eq, %select_n3A_700, %eq3A_701 : i32
        %select_n3A_703 = arith.constant 0 : i32
        %select_n3A_704 = arith.select %eq3A_702, %select_n3A_703, %select_n3A_700 : i32
        scf.yield %select_n3A_427, %select_n3A_665, %select_n3A_453, %select_n3A_682, %select_n3A_586, %select_n3A_648, %select_n3A_704, %select_n3A_697, %select_n3A_690 : i32, i32, i32, i32, i32, i32, i32, i32, i32
      }
      %scan3A_176 = arith.constant 384 : i32
      %sub3A = arith.constant 1 : i32
      %sub3A_177 = arith.subi %scan3A_175#8, %sub3A : i32
      %select_n3A_178 = arith.constant true
      %select_n3A_179 = arith.select %select_n3A_178, %sub3A_177, %scan3A_175#8 : i32
      %eq3A_180 = arith.constant -1 : i32
      %eq3A_181 = arith.cmpi eq, %select_n3A_179, %eq3A_180 : i32
      %select_n3A_182 = arith.constant 2 : i32
      %select_n3A_183 = arith.select %eq3A_181, %select_n3A_182, %select_n3A_179 : i32
      %sub3A_184 = arith.constant 1 : i32
      %sub3A_185 = arith.subi %scan3A_175#7, %sub3A_184 : i32
      %select_n3A_186 = arith.select %eq3A_181, %sub3A_185, %scan3A_175#7 : i32
      %eq3A_187 = arith.constant -1 : i32
      %eq3A_188 = arith.cmpi eq, %select_n3A_186, %eq3A_187 : i32
      %select_n3A_189 = arith.constant 7 : i32
      %select_n3A_190 = arith.select %eq3A_188, %select_n3A_189, %select_n3A_186 : i32
      %sub3A_191 = arith.constant 1 : i32
      %sub3A_192 = arith.subi %scan3A_175#6, %sub3A_191 : i32
      %select_n3A_193 = arith.select %eq3A_188, %sub3A_192, %scan3A_175#6 : i32
      %eq3A_194 = arith.constant -1 : i32
      %eq3A_195 = arith.cmpi eq, %select_n3A_193, %eq3A_194 : i32
      %select_n3A_196 = arith.constant 15 : i32
      %select_n3A_197 = arith.select %eq3A_195, %select_n3A_196, %select_n3A_193 : i32
      %add3A_198 = arith.constant 0 : i32
      %add3A_199 = arith.addi %select_n3A_197, %add3A_198 : i32
      %add3A_200 = arith.addi %select_n3A_190, %mul3A_6 : i32
      %add3A_201 = arith.constant 0 : i32
      %add3A_202 = arith.addi %select_n3A_183, %add3A_201 : i32
      %sub3A_203 = arith.constant 1 : i32
      %sub3A_204 = arith.subi %select_n3A_183, %sub3A_203 : i32
      %select_n3A_205 = arith.constant true
      %select_n3A_206 = arith.select %select_n3A_205, %sub3A_204, %select_n3A_183 : i32
      %eq3A_207 = arith.constant -1 : i32
      %eq3A_208 = arith.cmpi eq, %select_n3A_206, %eq3A_207 : i32
      %select_n3A_209 = arith.constant 2 : i32
      %select_n3A_210 = arith.select %eq3A_208, %select_n3A_209, %select_n3A_206 : i32
      %sub3A_211 = arith.constant 1 : i32
      %sub3A_212 = arith.subi %select_n3A_190, %sub3A_211 : i32
      %select_n3A_213 = arith.select %eq3A_208, %sub3A_212, %select_n3A_190 : i32
      %eq3A_214 = arith.constant -1 : i32
      %eq3A_215 = arith.cmpi eq, %select_n3A_213, %eq3A_214 : i32
      %select_n3A_216 = arith.constant 7 : i32
      %select_n3A_217 = arith.select %eq3A_215, %select_n3A_216, %select_n3A_213 : i32
      %sub3A_218 = arith.constant 1 : i32
      %sub3A_219 = arith.subi %select_n3A_197, %sub3A_218 : i32
      %select_n3A_220 = arith.select %eq3A_215, %sub3A_219, %select_n3A_197 : i32
      %eq3A_221 = arith.constant -1 : i32
      %eq3A_222 = arith.cmpi eq, %select_n3A_220, %eq3A_221 : i32
      %select_n3A_223 = arith.constant 15 : i32
      %select_n3A_224 = arith.select %eq3A_222, %select_n3A_223, %select_n3A_220 : i32
      %add3A_225 = arith.constant 0 : i32
      %add3A_226 = arith.addi %select_n3A_224, %add3A_225 : i32
      %add3A_227 = arith.addi %select_n3A_217, %mul3A_6 : i32
      %add3A_228 = arith.constant 0 : i32
      %add3A_229 = arith.addi %select_n3A_210, %add3A_228 : i32
      %add3A_230 = arith.constant 1 : i32
      %add3A_231 = arith.addi %select_n3A_183, %add3A_230 : i32
      %select_n3A_232 = arith.constant true
      %select_n3A_233 = arith.select %select_n3A_232, %add3A_231, %select_n3A_183 : i32
      %eq3A_234 = arith.constant 3 : i32
      %eq3A_235 = arith.cmpi eq, %select_n3A_233, %eq3A_234 : i32
      %select_n3A_236 = arith.constant 0 : i32
      %select_n3A_237 = arith.select %eq3A_235, %select_n3A_236, %select_n3A_233 : i32
      %add3A_238 = arith.constant 1 : i32
      %add3A_239 = arith.addi %select_n3A_190, %add3A_238 : i32
      %select_n3A_240 = arith.select %eq3A_235, %add3A_239, %select_n3A_190 : i32
      %eq3A_241 = arith.constant 8 : i32
      %eq3A_242 = arith.cmpi eq, %select_n3A_240, %eq3A_241 : i32
      %select_n3A_243 = arith.constant 0 : i32
      %select_n3A_244 = arith.select %eq3A_242, %select_n3A_243, %select_n3A_240 : i32
      %add3A_245 = arith.constant 1 : i32
      %add3A_246 = arith.addi %select_n3A_197, %add3A_245 : i32
      %select_n3A_247 = arith.select %eq3A_242, %add3A_246, %select_n3A_197 : i32
      %eq3A_248 = arith.constant 16 : i32
      %eq3A_249 = arith.cmpi eq, %select_n3A_247, %eq3A_248 : i32
      %select_n3A_250 = arith.constant 0 : i32
      %select_n3A_251 = arith.select %eq3A_249, %select_n3A_250, %select_n3A_247 : i32
      %add3A_252 = arith.constant 0 : i32
      %add3A_253 = arith.addi %select_n3A_251, %add3A_252 : i32
      %add3A_254 = arith.addi %select_n3A_244, %mul3A_6 : i32
      %add3A_255 = arith.constant 0 : i32
      %add3A_256 = arith.addi %select_n3A_237, %add3A_255 : i32
      %add3A_257 = arith.constant 1 : i32
      %add3A_258 = arith.addi %select_n3A_237, %add3A_257 : i32
      %select_n3A_259 = arith.constant true
      %select_n3A_260 = arith.select %select_n3A_259, %add3A_258, %select_n3A_237 : i32
      %eq3A_261 = arith.constant 3 : i32
      %eq3A_262 = arith.cmpi eq, %select_n3A_260, %eq3A_261 : i32
      %select_n3A_263 = arith.constant 0 : i32
      %select_n3A_264 = arith.select %eq3A_262, %select_n3A_263, %select_n3A_260 : i32
      %add3A_265 = arith.constant 1 : i32
      %add3A_266 = arith.addi %select_n3A_244, %add3A_265 : i32
      %select_n3A_267 = arith.select %eq3A_262, %add3A_266, %select_n3A_244 : i32
      %eq3A_268 = arith.constant 8 : i32
      %eq3A_269 = arith.cmpi eq, %select_n3A_267, %eq3A_268 : i32
      %select_n3A_270 = arith.constant 0 : i32
      %select_n3A_271 = arith.select %eq3A_269, %select_n3A_270, %select_n3A_267 : i32
      %add3A_272 = arith.constant 1 : i32
      %add3A_273 = arith.addi %select_n3A_251, %add3A_272 : i32
      %select_n3A_274 = arith.select %eq3A_269, %add3A_273, %select_n3A_251 : i32
      %eq3A_275 = arith.constant 16 : i32
      %eq3A_276 = arith.cmpi eq, %select_n3A_274, %eq3A_275 : i32
      %select_n3A_277 = arith.constant 0 : i32
      %select_n3A_278 = arith.select %eq3A_276, %select_n3A_277, %select_n3A_274 : i32
      %add3A_279 = arith.constant 0 : i32
      %add3A_280 = arith.addi %select_n3A_278, %add3A_279 : i32
      %add3A_281 = arith.addi %select_n3A_271, %mul3A_6 : i32
      %add3A_282 = arith.constant 0 : i32
      %add3A_283 = arith.addi %select_n3A_264, %add3A_282 : i32
      "tpu.trace_start"() <{level = 10 : i32, message = "ep_finalize"}> : () -> ()
      %rem3A_284 = arith.constant 2 : i32
      %rem3A_285 = arith.remui %scan3A_175#5, %rem3A_284 : i32
      %mul3A_286 = arith.constant 1 : i32
      %mul3A_287 = arith.muli %mul3A_286, %add3A_199 : i32
      %mul3A_288 = arith.constant 1 : i32
      %mul3A_289 = arith.muli %mul3A_288, %add3A_200 : i32
      %dma_wait3A = arith.constant 0 : i32
      %dma_wait3A_290 = arith.constant 0 : i32
      %dma_wait3A_291 = arith.constant 0 : i32
      %dma_wait3A_292 = arith.constant 0 : i32
      %dma_wait3A_293 = tpu.memref_slice %run_scoped3A_10[%rem3A_285, %dma_wait3A, %dma_wait3A_290, %dma_wait3A_291, %dma_wait3A_292] : memref<2x1x3x1x16xf32, #tpu.memory_space<vmem>> -> memref<1x1x3x1x16xf32, #tpu.memory_space<vmem>>
      %dma_wait3A_294 = tpu.memref_squeeze %dma_wait3A_293 : memref<1x1x3x1x16xf32, #tpu.memory_space<vmem>> -> memref<1x3x1x16xf32, #tpu.memory_space<vmem>>
      %dma_wait3A_295 = arith.constant 0 : i32
      %dma_wait3A_296 = arith.constant 0 : i32
      %dma_wait3A_297 = tpu.memref_slice %arg4[%mul3A_287, %dma_wait3A_295, %mul3A_289, %dma_wait3A_296] : memref<16x3x256x16xf32, #tpu.memory_space<hbm>> -> memref<1x3x1x16xf32, #tpu.memory_space<hbm>>
      %dma_wait3A_298 = tpu.memref_slice %run_scoped3A_11[%rem3A_285] : memref<2x!tpu.dma_semaphore, #tpu.memory_space<semaphore_mem>> -> memref<1x!tpu.dma_semaphore, #tpu.memory_space<semaphore_mem>>
      %dma_wait3A_299 = tpu.memref_squeeze %dma_wait3A_298 : memref<1x!tpu.dma_semaphore, #tpu.memory_space<semaphore_mem>> -> memref<!tpu.dma_semaphore, #tpu.memory_space<semaphore_mem>>
      %dma_wait3A_300 = arith.constant 0 : i32
      %dma_wait3A_301 = arith.constant 0 : i32
      %dma_wait3A_302 = tpu.memref_slice %arg4[%mul3A_287, %dma_wait3A_300, %mul3A_289, %dma_wait3A_301] : memref<16x3x256x16xf32, #tpu.memory_space<hbm>> -> memref<1x3x1x16xf32, #tpu.memory_space<hbm>>
      %dma_wait3A_303 = arith.constant 0 : i32
      %dma_wait3A_304 = arith.constant 0 : i32
      %dma_wait3A_305 = arith.constant 0 : i32
      %dma_wait3A_306 = arith.constant 0 : i32
      %dma_wait3A_307 = tpu.memref_slice %run_scoped3A_10[%rem3A_285, %dma_wait3A_303, %dma_wait3A_304, %dma_wait3A_305, %dma_wait3A_306] : memref<2x1x3x1x16xf32, #tpu.memory_space<vmem>> -> memref<1x1x3x1x16xf32, #tpu.memory_space<vmem>>
      %dma_wait3A_308 = tpu.memref_squeeze %dma_wait3A_307 : memref<1x1x3x1x16xf32, #tpu.memory_space<vmem>> -> memref<1x3x1x16xf32, #tpu.memory_space<vmem>>
      tpu.wait_dma2 semaphore(%dma_wait3A_299 : memref<!tpu.dma_semaphore, #tpu.memory_space<semaphore_mem>>) src(%dma_wait3A_308 : memref<1x3x1x16xf32, #tpu.memory_space<vmem>>) dst(%dma_wait3A_302 : memref<1x3x1x16xf32, #tpu.memory_space<hbm>>)
      "tpu.trace_stop"() : () -> ()
      tpu.yield
    }) : () -> ()
    return
  }
}

module attributes {stable_mosaic.version = 14 : i64} {
  func.func @_cbl_body(%arg0: i32, %arg1: memref<64x313x32x128xf32, #tpu.memory_space<any>>, %arg2: memref<64x313x32x128xf32, #tpu.memory_space<any>>, %arg3: memref<1x1xf32, #tpu.memory_space<smem>>, %arg4: memref<9x313x8x128xf32, #tpu.memory_space<vmem>>, %arg5: memref<9x313x8x128xf32, #tpu.memory_space<vmem>>, %arg6: memref<9x!tpu.dma_semaphore, #tpu.memory_space<semaphore_mem>>, %arg7: memref<9x!tpu.dma_semaphore, #tpu.memory_space<semaphore_mem>>) attributes {dimension_semantics = [#tpu.dimension_semantics<arbitrary>], iteration_bounds = array<i64: 192>, scalar_prefetch = 0 : i64, scratch_operands = 4 : i64, tpu.core_type = #tpu.core_type<tc>, window_params = [{}, {}, {transform_indices = @transform_2, window_bounds = array<i64: 1, 1>}]} {
    %eq3A = arith.constant 0 : i32
    %eq3A_0 = arith.cmpi eq, %arg0, %eq3A : i32
    %convert_element_type3A = arith.extui %eq3A_0 : i1 to i32
    %cond3A = arith.constant 0 : i32
    %cond3A_1 = arith.cmpi ne, %convert_element_type3A, %cond3A : i32
    scf.if %cond3A_1 {
      %dma_start3A = arith.constant 0 : i32
      %dma_start3A_112 = arith.constant 0 : i32
      %dma_start3A_113 = arith.constant 0 : i32
      %dma_start3A_114 = tpu.memref_slice %arg6[%dma_start3A_113] : memref<9x!tpu.dma_semaphore, #tpu.memory_space<semaphore_mem>> -> memref<1x!tpu.dma_semaphore, #tpu.memory_space<semaphore_mem>>
      %dma_start3A_115 = tpu.memref_squeeze %dma_start3A_114 : memref<1x!tpu.dma_semaphore, #tpu.memory_space<semaphore_mem>> -> memref<!tpu.dma_semaphore, #tpu.memory_space<semaphore_mem>>
      %dma_start3A_116 = arith.constant 0 : i32
      %dma_start3A_117 = arith.constant 0 : i32
      %dma_start3A_118 = arith.constant 0 : i32
      %dma_start3A_119 = tpu.memref_slice %arg4[%dma_start3A_112, %dma_start3A_116, %dma_start3A_117, %dma_start3A_118] : memref<9x313x8x128xf32, #tpu.memory_space<vmem>> -> memref<1x313x8x128xf32, #tpu.memory_space<vmem>>
      %dma_start3A_120 = tpu.memref_squeeze %dma_start3A_119 : memref<1x313x8x128xf32, #tpu.memory_space<vmem>> -> memref<313x8x128xf32, #tpu.memory_space<vmem>>
      %dma_start3A_121 = arith.constant 0 : i32
      %dma_start3A_122 = arith.constant 0 : i32
      %dma_start3A_123 = arith.constant 0 : i32
      %dma_start3A_124 = tpu.memref_slice %arg1[%dma_start3A, %dma_start3A_121, %dma_start3A_122, %dma_start3A_123] : memref<64x313x32x128xf32, #tpu.memory_space<any>> -> memref<1x313x8x128xf32, #tpu.memory_space<any>>
      %dma_start3A_125 = tpu.memref_squeeze %dma_start3A_124 : memref<1x313x8x128xf32, #tpu.memory_space<any>> -> memref<313x8x128xf32, #tpu.memory_space<any>>
      tpu.enqueue_dma source(%dma_start3A_125 : memref<313x8x128xf32, #tpu.memory_space<any>>) target(%dma_start3A_120 : memref<313x8x128xf32, #tpu.memory_space<vmem>>) target_semaphore(%dma_start3A_115 : memref<!tpu.dma_semaphore, #tpu.memory_space<semaphore_mem>>)
      %dma_start3A_126 = arith.constant 0 : i32
      %dma_start3A_127 = arith.constant 0 : i32
      %dma_start3A_128 = arith.constant 0 : i32
      %dma_start3A_129 = tpu.memref_slice %arg7[%dma_start3A_128] : memref<9x!tpu.dma_semaphore, #tpu.memory_space<semaphore_mem>> -> memref<1x!tpu.dma_semaphore, #tpu.memory_space<semaphore_mem>>
      %dma_start3A_130 = tpu.memref_squeeze %dma_start3A_129 : memref<1x!tpu.dma_semaphore, #tpu.memory_space<semaphore_mem>> -> memref<!tpu.dma_semaphore, #tpu.memory_space<semaphore_mem>>
      %dma_start3A_131 = arith.constant 0 : i32
      %dma_start3A_132 = arith.constant 0 : i32
      %dma_start3A_133 = arith.constant 0 : i32
      %dma_start3A_134 = tpu.memref_slice %arg5[%dma_start3A_127, %dma_start3A_131, %dma_start3A_132, %dma_start3A_133] : memref<9x313x8x128xf32, #tpu.memory_space<vmem>> -> memref<1x313x8x128xf32, #tpu.memory_space<vmem>>
      %dma_start3A_135 = tpu.memref_squeeze %dma_start3A_134 : memref<1x313x8x128xf32, #tpu.memory_space<vmem>> -> memref<313x8x128xf32, #tpu.memory_space<vmem>>
      %dma_start3A_136 = arith.constant 0 : i32
      %dma_start3A_137 = arith.constant 0 : i32
      %dma_start3A_138 = arith.constant 0 : i32
      %dma_start3A_139 = tpu.memref_slice %arg2[%dma_start3A_126, %dma_start3A_136, %dma_start3A_137, %dma_start3A_138] : memref<64x313x32x128xf32, #tpu.memory_space<any>> -> memref<1x313x8x128xf32, #tpu.memory_space<any>>
      %dma_start3A_140 = tpu.memref_squeeze %dma_start3A_139 : memref<1x313x8x128xf32, #tpu.memory_space<any>> -> memref<313x8x128xf32, #tpu.memory_space<any>>
      tpu.enqueue_dma source(%dma_start3A_140 : memref<313x8x128xf32, #tpu.memory_space<any>>) target(%dma_start3A_135 : memref<313x8x128xf32, #tpu.memory_space<vmem>>) target_semaphore(%dma_start3A_130 : memref<!tpu.dma_semaphore, #tpu.memory_space<semaphore_mem>>) {priority = 1 : i32}
      %dma_start3A_141 = arith.constant 0 : i32
      %dma_start3A_142 = arith.constant 1 : i32
      %dma_start3A_143 = arith.constant 1 : i32
      %dma_start3A_144 = tpu.memref_slice %arg6[%dma_start3A_143] : memref<9x!tpu.dma_semaphore, #tpu.memory_space<semaphore_mem>> -> memref<1x!tpu.dma_semaphore, #tpu.memory_space<semaphore_mem>>
      %dma_start3A_145 = tpu.memref_squeeze %dma_start3A_144 : memref<1x!tpu.dma_semaphore, #tpu.memory_space<semaphore_mem>> -> memref<!tpu.dma_semaphore, #tpu.memory_space<semaphore_mem>>
      %dma_start3A_146 = arith.constant 0 : i32
      %dma_start3A_147 = arith.constant 0 : i32
      %dma_start3A_148 = arith.constant 0 : i32
      %dma_start3A_149 = tpu.memref_slice %arg4[%dma_start3A_142, %dma_start3A_146, %dma_start3A_147, %dma_start3A_148] : memref<9x313x8x128xf32, #tpu.memory_space<vmem>> -> memref<1x313x8x128xf32, #tpu.memory_space<vmem>>
      %dma_start3A_150 = tpu.memref_squeeze %dma_start3A_149 : memref<1x313x8x128xf32, #tpu.memory_space<vmem>> -> memref<313x8x128xf32, #tpu.memory_space<vmem>>
      %dma_start3A_151 = arith.constant 0 : i32
      %dma_start3A_152 = arith.constant 8 : i32
      %dma_start3A_153 = arith.constant 0 : i32
      %dma_start3A_154 = tpu.memref_slice %arg1[%dma_start3A_141, %dma_start3A_151, %dma_start3A_152, %dma_start3A_153] : memref<64x313x32x128xf32, #tpu.memory_space<any>> -> memref<1x313x8x128xf32, #tpu.memory_space<any>>
      %dma_start3A_155 = tpu.memref_squeeze %dma_start3A_154 : memref<1x313x8x128xf32, #tpu.memory_space<any>> -> memref<313x8x128xf32, #tpu.memory_space<any>>
      tpu.enqueue_dma source(%dma_start3A_155 : memref<313x8x128xf32, #tpu.memory_space<any>>) target(%dma_start3A_150 : memref<313x8x128xf32, #tpu.memory_space<vmem>>) target_semaphore(%dma_start3A_145 : memref<!tpu.dma_semaphore, #tpu.memory_space<semaphore_mem>>)
      %dma_start3A_156 = arith.constant 0 : i32
      %dma_start3A_157 = arith.constant 1 : i32
      %dma_start3A_158 = arith.constant 1 : i32
      %dma_start3A_159 = tpu.memref_slice %arg7[%dma_start3A_158] : memref<9x!tpu.dma_semaphore, #tpu.memory_space<semaphore_mem>> -> memref<1x!tpu.dma_semaphore, #tpu.memory_space<semaphore_mem>>
      %dma_start3A_160 = tpu.memref_squeeze %dma_start3A_159 : memref<1x!tpu.dma_semaphore, #tpu.memory_space<semaphore_mem>> -> memref<!tpu.dma_semaphore, #tpu.memory_space<semaphore_mem>>
      %dma_start3A_161 = arith.constant 0 : i32
      %dma_start3A_162 = arith.constant 0 : i32
      %dma_start3A_163 = arith.constant 0 : i32
      %dma_start3A_164 = tpu.memref_slice %arg5[%dma_start3A_157, %dma_start3A_161, %dma_start3A_162, %dma_start3A_163] : memref<9x313x8x128xf32, #tpu.memory_space<vmem>> -> memref<1x313x8x128xf32, #tpu.memory_space<vmem>>
      %dma_start3A_165 = tpu.memref_squeeze %dma_start3A_164 : memref<1x313x8x128xf32, #tpu.memory_space<vmem>> -> memref<313x8x128xf32, #tpu.memory_space<vmem>>
      %dma_start3A_166 = arith.constant 0 : i32
      %dma_start3A_167 = arith.constant 8 : i32
      %dma_start3A_168 = arith.constant 0 : i32
      %dma_start3A_169 = tpu.memref_slice %arg2[%dma_start3A_156, %dma_start3A_166, %dma_start3A_167, %dma_start3A_168] : memref<64x313x32x128xf32, #tpu.memory_space<any>> -> memref<1x313x8x128xf32, #tpu.memory_space<any>>
      %dma_start3A_170 = tpu.memref_squeeze %dma_start3A_169 : memref<1x313x8x128xf32, #tpu.memory_space<any>> -> memref<313x8x128xf32, #tpu.memory_space<any>>
      tpu.enqueue_dma source(%dma_start3A_170 : memref<313x8x128xf32, #tpu.memory_space<any>>) target(%dma_start3A_165 : memref<313x8x128xf32, #tpu.memory_space<vmem>>) target_semaphore(%dma_start3A_160 : memref<!tpu.dma_semaphore, #tpu.memory_space<semaphore_mem>>) {priority = 1 : i32}
      %dma_start3A_171 = arith.constant 0 : i32
      %dma_start3A_172 = arith.constant 2 : i32
      %dma_start3A_173 = arith.constant 2 : i32
      %dma_start3A_174 = tpu.memref_slice %arg6[%dma_start3A_173] : memref<9x!tpu.dma_semaphore, #tpu.memory_space<semaphore_mem>> -> memref<1x!tpu.dma_semaphore, #tpu.memory_space<semaphore_mem>>
      %dma_start3A_175 = tpu.memref_squeeze %dma_start3A_174 : memref<1x!tpu.dma_semaphore, #tpu.memory_space<semaphore_mem>> -> memref<!tpu.dma_semaphore, #tpu.memory_space<semaphore_mem>>
      %dma_start3A_176 = arith.constant 0 : i32
      %dma_start3A_177 = arith.constant 0 : i32
      %dma_start3A_178 = arith.constant 0 : i32
      %dma_start3A_179 = tpu.memref_slice %arg4[%dma_start3A_172, %dma_start3A_176, %dma_start3A_177, %dma_start3A_178] : memref<9x313x8x128xf32, #tpu.memory_space<vmem>> -> memref<1x313x8x128xf32, #tpu.memory_space<vmem>>
      %dma_start3A_180 = tpu.memref_squeeze %dma_start3A_179 : memref<1x313x8x128xf32, #tpu.memory_space<vmem>> -> memref<313x8x128xf32, #tpu.memory_space<vmem>>
      %dma_start3A_181 = arith.constant 0 : i32
      %dma_start3A_182 = arith.constant 16 : i32
      %dma_start3A_183 = arith.constant 0 : i32
      %dma_start3A_184 = tpu.memref_slice %arg1[%dma_start3A_171, %dma_start3A_181, %dma_start3A_182, %dma_start3A_183] : memref<64x313x32x128xf32, #tpu.memory_space<any>> -> memref<1x313x8x128xf32, #tpu.memory_space<any>>
      %dma_start3A_185 = tpu.memref_squeeze %dma_start3A_184 : memref<1x313x8x128xf32, #tpu.memory_space<any>> -> memref<313x8x128xf32, #tpu.memory_space<any>>
      tpu.enqueue_dma source(%dma_start3A_185 : memref<313x8x128xf32, #tpu.memory_space<any>>) target(%dma_start3A_180 : memref<313x8x128xf32, #tpu.memory_space<vmem>>) target_semaphore(%dma_start3A_175 : memref<!tpu.dma_semaphore, #tpu.memory_space<semaphore_mem>>)
      %dma_start3A_186 = arith.constant 0 : i32
      %dma_start3A_187 = arith.constant 2 : i32
      %dma_start3A_188 = arith.constant 2 : i32
      %dma_start3A_189 = tpu.memref_slice %arg7[%dma_start3A_188] : memref<9x!tpu.dma_semaphore, #tpu.memory_space<semaphore_mem>> -> memref<1x!tpu.dma_semaphore, #tpu.memory_space<semaphore_mem>>
      %dma_start3A_190 = tpu.memref_squeeze %dma_start3A_189 : memref<1x!tpu.dma_semaphore, #tpu.memory_space<semaphore_mem>> -> memref<!tpu.dma_semaphore, #tpu.memory_space<semaphore_mem>>
      %dma_start3A_191 = arith.constant 0 : i32
      %dma_start3A_192 = arith.constant 0 : i32
      %dma_start3A_193 = arith.constant 0 : i32
      %dma_start3A_194 = tpu.memref_slice %arg5[%dma_start3A_187, %dma_start3A_191, %dma_start3A_192, %dma_start3A_193] : memref<9x313x8x128xf32, #tpu.memory_space<vmem>> -> memref<1x313x8x128xf32, #tpu.memory_space<vmem>>
      %dma_start3A_195 = tpu.memref_squeeze %dma_start3A_194 : memref<1x313x8x128xf32, #tpu.memory_space<vmem>> -> memref<313x8x128xf32, #tpu.memory_space<vmem>>
      %dma_start3A_196 = arith.constant 0 : i32
      %dma_start3A_197 = arith.constant 16 : i32
      %dma_start3A_198 = arith.constant 0 : i32
      %dma_start3A_199 = tpu.memref_slice %arg2[%dma_start3A_186, %dma_start3A_196, %dma_start3A_197, %dma_start3A_198] : memref<64x313x32x128xf32, #tpu.memory_space<any>> -> memref<1x313x8x128xf32, #tpu.memory_space<any>>
      %dma_start3A_200 = tpu.memref_squeeze %dma_start3A_199 : memref<1x313x8x128xf32, #tpu.memory_space<any>> -> memref<313x8x128xf32, #tpu.memory_space<any>>
      tpu.enqueue_dma source(%dma_start3A_200 : memref<313x8x128xf32, #tpu.memory_space<any>>) target(%dma_start3A_195 : memref<313x8x128xf32, #tpu.memory_space<vmem>>) target_semaphore(%dma_start3A_190 : memref<!tpu.dma_semaphore, #tpu.memory_space<semaphore_mem>>) {priority = 1 : i32}
      %dma_start3A_201 = arith.constant 0 : i32
      %dma_start3A_202 = arith.constant 3 : i32
      %dma_start3A_203 = arith.constant 3 : i32
      %dma_start3A_204 = tpu.memref_slice %arg6[%dma_start3A_203] : memref<9x!tpu.dma_semaphore, #tpu.memory_space<semaphore_mem>> -> memref<1x!tpu.dma_semaphore, #tpu.memory_space<semaphore_mem>>
      %dma_start3A_205 = tpu.memref_squeeze %dma_start3A_204 : memref<1x!tpu.dma_semaphore, #tpu.memory_space<semaphore_mem>> -> memref<!tpu.dma_semaphore, #tpu.memory_space<semaphore_mem>>
      %dma_start3A_206 = arith.constant 0 : i32
      %dma_start3A_207 = arith.constant 0 : i32
      %dma_start3A_208 = arith.constant 0 : i32
      %dma_start3A_209 = tpu.memref_slice %arg4[%dma_start3A_202, %dma_start3A_206, %dma_start3A_207, %dma_start3A_208] : memref<9x313x8x128xf32, #tpu.memory_space<vmem>> -> memref<1x313x8x128xf32, #tpu.memory_space<vmem>>
      %dma_start3A_210 = tpu.memref_squeeze %dma_start3A_209 : memref<1x313x8x128xf32, #tpu.memory_space<vmem>> -> memref<313x8x128xf32, #tpu.memory_space<vmem>>
      %dma_start3A_211 = arith.constant 0 : i32
      %dma_start3A_212 = arith.constant 24 : i32
      %dma_start3A_213 = arith.constant 0 : i32
      %dma_start3A_214 = tpu.memref_slice %arg1[%dma_start3A_201, %dma_start3A_211, %dma_start3A_212, %dma_start3A_213] : memref<64x313x32x128xf32, #tpu.memory_space<any>> -> memref<1x313x8x128xf32, #tpu.memory_space<any>>
      %dma_start3A_215 = tpu.memref_squeeze %dma_start3A_214 : memref<1x313x8x128xf32, #tpu.memory_space<any>> -> memref<313x8x128xf32, #tpu.memory_space<any>>
      tpu.enqueue_dma source(%dma_start3A_215 : memref<313x8x128xf32, #tpu.memory_space<any>>) target(%dma_start3A_210 : memref<313x8x128xf32, #tpu.memory_space<vmem>>) target_semaphore(%dma_start3A_205 : memref<!tpu.dma_semaphore, #tpu.memory_space<semaphore_mem>>)
      %dma_start3A_216 = arith.constant 0 : i32
      %dma_start3A_217 = arith.constant 3 : i32
      %dma_start3A_218 = arith.constant 3 : i32
      %dma_start3A_219 = tpu.memref_slice %arg7[%dma_start3A_218] : memref<9x!tpu.dma_semaphore, #tpu.memory_space<semaphore_mem>> -> memref<1x!tpu.dma_semaphore, #tpu.memory_space<semaphore_mem>>
      %dma_start3A_220 = tpu.memref_squeeze %dma_start3A_219 : memref<1x!tpu.dma_semaphore, #tpu.memory_space<semaphore_mem>> -> memref<!tpu.dma_semaphore, #tpu.memory_space<semaphore_mem>>
      %dma_start3A_221 = arith.constant 0 : i32
      %dma_start3A_222 = arith.constant 0 : i32
      %dma_start3A_223 = arith.constant 0 : i32
      %dma_start3A_224 = tpu.memref_slice %arg5[%dma_start3A_217, %dma_start3A_221, %dma_start3A_222, %dma_start3A_223] : memref<9x313x8x128xf32, #tpu.memory_space<vmem>> -> memref<1x313x8x128xf32, #tpu.memory_space<vmem>>
      %dma_start3A_225 = tpu.memref_squeeze %dma_start3A_224 : memref<1x313x8x128xf32, #tpu.memory_space<vmem>> -> memref<313x8x128xf32, #tpu.memory_space<vmem>>
      %dma_start3A_226 = arith.constant 0 : i32
      %dma_start3A_227 = arith.constant 24 : i32
      %dma_start3A_228 = arith.constant 0 : i32
      %dma_start3A_229 = tpu.memref_slice %arg2[%dma_start3A_216, %dma_start3A_226, %dma_start3A_227, %dma_start3A_228] : memref<64x313x32x128xf32, #tpu.memory_space<any>> -> memref<1x313x8x128xf32, #tpu.memory_space<any>>
      %dma_start3A_230 = tpu.memref_squeeze %dma_start3A_229 : memref<1x313x8x128xf32, #tpu.memory_space<any>> -> memref<313x8x128xf32, #tpu.memory_space<any>>
      tpu.enqueue_dma source(%dma_start3A_230 : memref<313x8x128xf32, #tpu.memory_space<any>>) target(%dma_start3A_225 : memref<313x8x128xf32, #tpu.memory_space<vmem>>) target_semaphore(%dma_start3A_220 : memref<!tpu.dma_semaphore, #tpu.memory_space<semaphore_mem>>) {priority = 1 : i32}
      %dma_start3A_231 = arith.constant 1 : i32
      %dma_start3A_232 = arith.constant 4 : i32
      %dma_start3A_233 = arith.constant 4 : i32
      %dma_start3A_234 = tpu.memref_slice %arg6[%dma_start3A_233] : memref<9x!tpu.dma_semaphore, #tpu.memory_space<semaphore_mem>> -> memref<1x!tpu.dma_semaphore, #tpu.memory_space<semaphore_mem>>
      %dma_start3A_235 = tpu.memref_squeeze %dma_start3A_234 : memref<1x!tpu.dma_semaphore, #tpu.memory_space<semaphore_mem>> -> memref<!tpu.dma_semaphore, #tpu.memory_space<semaphore_mem>>
      %dma_start3A_236 = arith.constant 0 : i32
      %dma_start3A_237 = arith.constant 0 : i32
      %dma_start3A_238 = arith.constant 0 : i32
      %dma_start3A_239 = tpu.memref_slice %arg4[%dma_start3A_232, %dma_start3A_236, %dma_start3A_237, %dma_start3A_238] : memref<9x313x8x128xf32, #tpu.memory_space<vmem>> -> memref<1x313x8x128xf32, #tpu.memory_space<vmem>>
      %dma_start3A_240 = tpu.memref_squeeze %dma_start3A_239 : memref<1x313x8x128xf32, #tpu.memory_space<vmem>> -> memref<313x8x128xf32, #tpu.memory_space<vmem>>
      %dma_start3A_241 = arith.constant 0 : i32
      %dma_start3A_242 = arith.constant 0 : i32
      %dma_start3A_243 = arith.constant 0 : i32
      %dma_start3A_244 = tpu.memref_slice %arg1[%dma_start3A_231, %dma_start3A_241, %dma_start3A_242, %dma_start3A_243] : memref<64x313x32x128xf32, #tpu.memory_space<any>> -> memref<1x313x8x128xf32, #tpu.memory_space<any>>
      %dma_start3A_245 = tpu.memref_squeeze %dma_start3A_244 : memref<1x313x8x128xf32, #tpu.memory_space<any>> -> memref<313x8x128xf32, #tpu.memory_space<any>>
      tpu.enqueue_dma source(%dma_start3A_245 : memref<313x8x128xf32, #tpu.memory_space<any>>) target(%dma_start3A_240 : memref<313x8x128xf32, #tpu.memory_space<vmem>>) target_semaphore(%dma_start3A_235 : memref<!tpu.dma_semaphore, #tpu.memory_space<semaphore_mem>>)
      %dma_start3A_246 = arith.constant 1 : i32
      %dma_start3A_247 = arith.constant 4 : i32
      %dma_start3A_248 = arith.constant 4 : i32
      %dma_start3A_249 = tpu.memref_slice %arg7[%dma_start3A_248] : memref<9x!tpu.dma_semaphore, #tpu.memory_space<semaphore_mem>> -> memref<1x!tpu.dma_semaphore, #tpu.memory_space<semaphore_mem>>
      %dma_start3A_250 = tpu.memref_squeeze %dma_start3A_249 : memref<1x!tpu.dma_semaphore, #tpu.memory_space<semaphore_mem>> -> memref<!tpu.dma_semaphore, #tpu.memory_space<semaphore_mem>>
      %dma_start3A_251 = arith.constant 0 : i32
      %dma_start3A_252 = arith.constant 0 : i32
      %dma_start3A_253 = arith.constant 0 : i32
      %dma_start3A_254 = tpu.memref_slice %arg5[%dma_start3A_247, %dma_start3A_251, %dma_start3A_252, %dma_start3A_253] : memref<9x313x8x128xf32, #tpu.memory_space<vmem>> -> memref<1x313x8x128xf32, #tpu.memory_space<vmem>>
      %dma_start3A_255 = tpu.memref_squeeze %dma_start3A_254 : memref<1x313x8x128xf32, #tpu.memory_space<vmem>> -> memref<313x8x128xf32, #tpu.memory_space<vmem>>
      %dma_start3A_256 = arith.constant 0 : i32
      %dma_start3A_257 = arith.constant 0 : i32
      %dma_start3A_258 = arith.constant 0 : i32
      %dma_start3A_259 = tpu.memref_slice %arg2[%dma_start3A_246, %dma_start3A_256, %dma_start3A_257, %dma_start3A_258] : memref<64x313x32x128xf32, #tpu.memory_space<any>> -> memref<1x313x8x128xf32, #tpu.memory_space<any>>
      %dma_start3A_260 = tpu.memref_squeeze %dma_start3A_259 : memref<1x313x8x128xf32, #tpu.memory_space<any>> -> memref<313x8x128xf32, #tpu.memory_space<any>>
      tpu.enqueue_dma source(%dma_start3A_260 : memref<313x8x128xf32, #tpu.memory_space<any>>) target(%dma_start3A_255 : memref<313x8x128xf32, #tpu.memory_space<vmem>>) target_semaphore(%dma_start3A_250 : memref<!tpu.dma_semaphore, #tpu.memory_space<semaphore_mem>>) {priority = 1 : i32}
      %dma_start3A_261 = arith.constant 1 : i32
      %dma_start3A_262 = arith.constant 5 : i32
      %dma_start3A_263 = arith.constant 5 : i32
      %dma_start3A_264 = tpu.memref_slice %arg6[%dma_start3A_263] : memref<9x!tpu.dma_semaphore, #tpu.memory_space<semaphore_mem>> -> memref<1x!tpu.dma_semaphore, #tpu.memory_space<semaphore_mem>>
      %dma_start3A_265 = tpu.memref_squeeze %dma_start3A_264 : memref<1x!tpu.dma_semaphore, #tpu.memory_space<semaphore_mem>> -> memref<!tpu.dma_semaphore, #tpu.memory_space<semaphore_mem>>
      %dma_start3A_266 = arith.constant 0 : i32
      %dma_start3A_267 = arith.constant 0 : i32
      %dma_start3A_268 = arith.constant 0 : i32
      %dma_start3A_269 = tpu.memref_slice %arg4[%dma_start3A_262, %dma_start3A_266, %dma_start3A_267, %dma_start3A_268] : memref<9x313x8x128xf32, #tpu.memory_space<vmem>> -> memref<1x313x8x128xf32, #tpu.memory_space<vmem>>
      %dma_start3A_270 = tpu.memref_squeeze %dma_start3A_269 : memref<1x313x8x128xf32, #tpu.memory_space<vmem>> -> memref<313x8x128xf32, #tpu.memory_space<vmem>>
      %dma_start3A_271 = arith.constant 0 : i32
      %dma_start3A_272 = arith.constant 8 : i32
      %dma_start3A_273 = arith.constant 0 : i32
      %dma_start3A_274 = tpu.memref_slice %arg1[%dma_start3A_261, %dma_start3A_271, %dma_start3A_272, %dma_start3A_273] : memref<64x313x32x128xf32, #tpu.memory_space<any>> -> memref<1x313x8x128xf32, #tpu.memory_space<any>>
      %dma_start3A_275 = tpu.memref_squeeze %dma_start3A_274 : memref<1x313x8x128xf32, #tpu.memory_space<any>> -> memref<313x8x128xf32, #tpu.memory_space<any>>
      tpu.enqueue_dma source(%dma_start3A_275 : memref<313x8x128xf32, #tpu.memory_space<any>>) target(%dma_start3A_270 : memref<313x8x128xf32, #tpu.memory_space<vmem>>) target_semaphore(%dma_start3A_265 : memref<!tpu.dma_semaphore, #tpu.memory_space<semaphore_mem>>)
      %dma_start3A_276 = arith.constant 1 : i32
      %dma_start3A_277 = arith.constant 5 : i32
      %dma_start3A_278 = arith.constant 5 : i32
      %dma_start3A_279 = tpu.memref_slice %arg7[%dma_start3A_278] : memref<9x!tpu.dma_semaphore, #tpu.memory_space<semaphore_mem>> -> memref<1x!tpu.dma_semaphore, #tpu.memory_space<semaphore_mem>>
      %dma_start3A_280 = tpu.memref_squeeze %dma_start3A_279 : memref<1x!tpu.dma_semaphore, #tpu.memory_space<semaphore_mem>> -> memref<!tpu.dma_semaphore, #tpu.memory_space<semaphore_mem>>
      %dma_start3A_281 = arith.constant 0 : i32
      %dma_start3A_282 = arith.constant 0 : i32
      %dma_start3A_283 = arith.constant 0 : i32
      %dma_start3A_284 = tpu.memref_slice %arg5[%dma_start3A_277, %dma_start3A_281, %dma_start3A_282, %dma_start3A_283] : memref<9x313x8x128xf32, #tpu.memory_space<vmem>> -> memref<1x313x8x128xf32, #tpu.memory_space<vmem>>
      %dma_start3A_285 = tpu.memref_squeeze %dma_start3A_284 : memref<1x313x8x128xf32, #tpu.memory_space<vmem>> -> memref<313x8x128xf32, #tpu.memory_space<vmem>>
      %dma_start3A_286 = arith.constant 0 : i32
      %dma_start3A_287 = arith.constant 8 : i32
      %dma_start3A_288 = arith.constant 0 : i32
      %dma_start3A_289 = tpu.memref_slice %arg2[%dma_start3A_276, %dma_start3A_286, %dma_start3A_287, %dma_start3A_288] : memref<64x313x32x128xf32, #tpu.memory_space<any>> -> memref<1x313x8x128xf32, #tpu.memory_space<any>>
      %dma_start3A_290 = tpu.memref_squeeze %dma_start3A_289 : memref<1x313x8x128xf32, #tpu.memory_space<any>> -> memref<313x8x128xf32, #tpu.memory_space<any>>
      tpu.enqueue_dma source(%dma_start3A_290 : memref<313x8x128xf32, #tpu.memory_space<any>>) target(%dma_start3A_285 : memref<313x8x128xf32, #tpu.memory_space<vmem>>) target_semaphore(%dma_start3A_280 : memref<!tpu.dma_semaphore, #tpu.memory_space<semaphore_mem>>) {priority = 1 : i32}
      %dma_start3A_291 = arith.constant 1 : i32
      %dma_start3A_292 = arith.constant 6 : i32
      %dma_start3A_293 = arith.constant 6 : i32
      %dma_start3A_294 = tpu.memref_slice %arg6[%dma_start3A_293] : memref<9x!tpu.dma_semaphore, #tpu.memory_space<semaphore_mem>> -> memref<1x!tpu.dma_semaphore, #tpu.memory_space<semaphore_mem>>
      %dma_start3A_295 = tpu.memref_squeeze %dma_start3A_294 : memref<1x!tpu.dma_semaphore, #tpu.memory_space<semaphore_mem>> -> memref<!tpu.dma_semaphore, #tpu.memory_space<semaphore_mem>>
      %dma_start3A_296 = arith.constant 0 : i32
      %dma_start3A_297 = arith.constant 0 : i32
      %dma_start3A_298 = arith.constant 0 : i32
      %dma_start3A_299 = tpu.memref_slice %arg4[%dma_start3A_292, %dma_start3A_296, %dma_start3A_297, %dma_start3A_298] : memref<9x313x8x128xf32, #tpu.memory_space<vmem>> -> memref<1x313x8x128xf32, #tpu.memory_space<vmem>>
      %dma_start3A_300 = tpu.memref_squeeze %dma_start3A_299 : memref<1x313x8x128xf32, #tpu.memory_space<vmem>> -> memref<313x8x128xf32, #tpu.memory_space<vmem>>
      %dma_start3A_301 = arith.constant 0 : i32
      %dma_start3A_302 = arith.constant 16 : i32
      %dma_start3A_303 = arith.constant 0 : i32
      %dma_start3A_304 = tpu.memref_slice %arg1[%dma_start3A_291, %dma_start3A_301, %dma_start3A_302, %dma_start3A_303] : memref<64x313x32x128xf32, #tpu.memory_space<any>> -> memref<1x313x8x128xf32, #tpu.memory_space<any>>
      %dma_start3A_305 = tpu.memref_squeeze %dma_start3A_304 : memref<1x313x8x128xf32, #tpu.memory_space<any>> -> memref<313x8x128xf32, #tpu.memory_space<any>>
      tpu.enqueue_dma source(%dma_start3A_305 : memref<313x8x128xf32, #tpu.memory_space<any>>) target(%dma_start3A_300 : memref<313x8x128xf32, #tpu.memory_space<vmem>>) target_semaphore(%dma_start3A_295 : memref<!tpu.dma_semaphore, #tpu.memory_space<semaphore_mem>>)
      %dma_start3A_306 = arith.constant 1 : i32
      %dma_start3A_307 = arith.constant 6 : i32
      %dma_start3A_308 = arith.constant 6 : i32
      %dma_start3A_309 = tpu.memref_slice %arg7[%dma_start3A_308] : memref<9x!tpu.dma_semaphore, #tpu.memory_space<semaphore_mem>> -> memref<1x!tpu.dma_semaphore, #tpu.memory_space<semaphore_mem>>
      %dma_start3A_310 = tpu.memref_squeeze %dma_start3A_309 : memref<1x!tpu.dma_semaphore, #tpu.memory_space<semaphore_mem>> -> memref<!tpu.dma_semaphore, #tpu.memory_space<semaphore_mem>>
      %dma_start3A_311 = arith.constant 0 : i32
      %dma_start3A_312 = arith.constant 0 : i32
      %dma_start3A_313 = arith.constant 0 : i32
      %dma_start3A_314 = tpu.memref_slice %arg5[%dma_start3A_307, %dma_start3A_311, %dma_start3A_312, %dma_start3A_313] : memref<9x313x8x128xf32, #tpu.memory_space<vmem>> -> memref<1x313x8x128xf32, #tpu.memory_space<vmem>>
      %dma_start3A_315 = tpu.memref_squeeze %dma_start3A_314 : memref<1x313x8x128xf32, #tpu.memory_space<vmem>> -> memref<313x8x128xf32, #tpu.memory_space<vmem>>
      %dma_start3A_316 = arith.constant 0 : i32
      %dma_start3A_317 = arith.constant 16 : i32
      %dma_start3A_318 = arith.constant 0 : i32
      %dma_start3A_319 = tpu.memref_slice %arg2[%dma_start3A_306, %dma_start3A_316, %dma_start3A_317, %dma_start3A_318] : memref<64x313x32x128xf32, #tpu.memory_space<any>> -> memref<1x313x8x128xf32, #tpu.memory_space<any>>
      %dma_start3A_320 = tpu.memref_squeeze %dma_start3A_319 : memref<1x313x8x128xf32, #tpu.memory_space<any>> -> memref<313x8x128xf32, #tpu.memory_space<any>>
      tpu.enqueue_dma source(%dma_start3A_320 : memref<313x8x128xf32, #tpu.memory_space<any>>) target(%dma_start3A_315 : memref<313x8x128xf32, #tpu.memory_space<vmem>>) target_semaphore(%dma_start3A_310 : memref<!tpu.dma_semaphore, #tpu.memory_space<semaphore_mem>>) {priority = 1 : i32}
      %dma_start3A_321 = arith.constant 1 : i32
      %dma_start3A_322 = arith.constant 7 : i32
      %dma_start3A_323 = arith.constant 7 : i32
      %dma_start3A_324 = tpu.memref_slice %arg6[%dma_start3A_323] : memref<9x!tpu.dma_semaphore, #tpu.memory_space<semaphore_mem>> -> memref<1x!tpu.dma_semaphore, #tpu.memory_space<semaphore_mem>>
      %dma_start3A_325 = tpu.memref_squeeze %dma_start3A_324 : memref<1x!tpu.dma_semaphore, #tpu.memory_space<semaphore_mem>> -> memref<!tpu.dma_semaphore, #tpu.memory_space<semaphore_mem>>
      %dma_start3A_326 = arith.constant 0 : i32
      %dma_start3A_327 = arith.constant 0 : i32
      %dma_start3A_328 = arith.constant 0 : i32
      %dma_start3A_329 = tpu.memref_slice %arg4[%dma_start3A_322, %dma_start3A_326, %dma_start3A_327, %dma_start3A_328] : memref<9x313x8x128xf32, #tpu.memory_space<vmem>> -> memref<1x313x8x128xf32, #tpu.memory_space<vmem>>
      %dma_start3A_330 = tpu.memref_squeeze %dma_start3A_329 : memref<1x313x8x128xf32, #tpu.memory_space<vmem>> -> memref<313x8x128xf32, #tpu.memory_space<vmem>>
      %dma_start3A_331 = arith.constant 0 : i32
      %dma_start3A_332 = arith.constant 24 : i32
      %dma_start3A_333 = arith.constant 0 : i32
      %dma_start3A_334 = tpu.memref_slice %arg1[%dma_start3A_321, %dma_start3A_331, %dma_start3A_332, %dma_start3A_333] : memref<64x313x32x128xf32, #tpu.memory_space<any>> -> memref<1x313x8x128xf32, #tpu.memory_space<any>>
      %dma_start3A_335 = tpu.memref_squeeze %dma_start3A_334 : memref<1x313x8x128xf32, #tpu.memory_space<any>> -> memref<313x8x128xf32, #tpu.memory_space<any>>
      tpu.enqueue_dma source(%dma_start3A_335 : memref<313x8x128xf32, #tpu.memory_space<any>>) target(%dma_start3A_330 : memref<313x8x128xf32, #tpu.memory_space<vmem>>) target_semaphore(%dma_start3A_325 : memref<!tpu.dma_semaphore, #tpu.memory_space<semaphore_mem>>)
      %dma_start3A_336 = arith.constant 1 : i32
      %dma_start3A_337 = arith.constant 7 : i32
      %dma_start3A_338 = arith.constant 7 : i32
      %dma_start3A_339 = tpu.memref_slice %arg7[%dma_start3A_338] : memref<9x!tpu.dma_semaphore, #tpu.memory_space<semaphore_mem>> -> memref<1x!tpu.dma_semaphore, #tpu.memory_space<semaphore_mem>>
      %dma_start3A_340 = tpu.memref_squeeze %dma_start3A_339 : memref<1x!tpu.dma_semaphore, #tpu.memory_space<semaphore_mem>> -> memref<!tpu.dma_semaphore, #tpu.memory_space<semaphore_mem>>
      %dma_start3A_341 = arith.constant 0 : i32
      %dma_start3A_342 = arith.constant 0 : i32
      %dma_start3A_343 = arith.constant 0 : i32
      %dma_start3A_344 = tpu.memref_slice %arg5[%dma_start3A_337, %dma_start3A_341, %dma_start3A_342, %dma_start3A_343] : memref<9x313x8x128xf32, #tpu.memory_space<vmem>> -> memref<1x313x8x128xf32, #tpu.memory_space<vmem>>
      %dma_start3A_345 = tpu.memref_squeeze %dma_start3A_344 : memref<1x313x8x128xf32, #tpu.memory_space<vmem>> -> memref<313x8x128xf32, #tpu.memory_space<vmem>>
      %dma_start3A_346 = arith.constant 0 : i32
      %dma_start3A_347 = arith.constant 24 : i32
      %dma_start3A_348 = arith.constant 0 : i32
      %dma_start3A_349 = tpu.memref_slice %arg2[%dma_start3A_336, %dma_start3A_346, %dma_start3A_347, %dma_start3A_348] : memref<64x313x32x128xf32, #tpu.memory_space<any>> -> memref<1x313x8x128xf32, #tpu.memory_space<any>>
      %dma_start3A_350 = tpu.memref_squeeze %dma_start3A_349 : memref<1x313x8x128xf32, #tpu.memory_space<any>> -> memref<313x8x128xf32, #tpu.memory_space<any>>
      tpu.enqueue_dma source(%dma_start3A_350 : memref<313x8x128xf32, #tpu.memory_space<any>>) target(%dma_start3A_345 : memref<313x8x128xf32, #tpu.memory_space<vmem>>) target_semaphore(%dma_start3A_340 : memref<!tpu.dma_semaphore, #tpu.memory_space<semaphore_mem>>) {priority = 1 : i32}
    } else {
    }
    %add3A = arith.constant 8 : i32
    %add3A_2 = arith.addi %arg0, %add3A : i32
    %lt3A = arith.constant 192 : i32
    %lt3A_3 = arith.cmpi slt, %add3A_2, %lt3A : i32
    %convert_element_type3A_4 = arith.extui %lt3A_3 : i1 to i32
    %cond3A_5 = arith.constant 0 : i32
    %cond3A_6 = arith.cmpi ne, %convert_element_type3A_4, %cond3A_5 : i32
    scf.if %cond3A_6 {
      %add3A_112 = arith.constant 8 : i32
      %add3A_113 = arith.addi %arg0, %add3A_112 : i32
      %add3A_114 = arith.constant 8 : i32
      %add3A_115 = arith.addi %arg0, %add3A_114 : i32
      %jit3A_116 = arith.constant 9 : i32
      %eq3A_117 = arith.constant 0 : i32
      %eq3A_118 = arith.cmpi eq, %jit3A_116, %eq3A_117 : i32
      %jit3A_119 = arith.constant 1 : i32
      %select_n3A_120 = arith.select %eq3A_118, %jit3A_119, %jit3A_116 : i32
      %rem3A_121 = arith.remsi %add3A_115, %select_n3A_120 : i32
      %ne3A_122 = arith.constant 0 : i32
      %ne3A_123 = arith.cmpi ne, %rem3A_121, %ne3A_122 : i32
      %lt3A_124 = arith.constant 0 : i32
      %lt3A_125 = arith.cmpi slt, %rem3A_121, %lt3A_124 : i32
      %lt3A_126 = arith.constant 0 : i32
      %lt3A_127 = arith.cmpi slt, %select_n3A_120, %lt3A_126 : i32
      %ne3A_128 = arith.xori %lt3A_125, %lt3A_127 : i1
      %and3A_129 = arith.andi %ne3A_128, %ne3A_123 : i1
      %add3A_130 = arith.addi %rem3A_121, %select_n3A_120 : i32
      %select_n3A_131 = arith.select %and3A_129, %add3A_130, %rem3A_121 : i32
      %jit3A_132 = arith.constant 4 : i32
      %div3A_133 = arith.divsi %add3A_113, %jit3A_132 : i32
      %sign3A_134 = arith.constant 0 : i32
      %sign3A_135 = arith.cmpi sgt, %add3A_113, %sign3A_134 : i32
      %sign3A_136 = arith.extui %sign3A_135 : i1 to i32
      %sign3A_137 = arith.constant 0 : i32
      %sign3A_138 = arith.cmpi slt, %add3A_113, %sign3A_137 : i32
      %sign3A_139 = arith.extui %sign3A_138 : i1 to i32
      %sign3A_140 = arith.subi %sign3A_136, %sign3A_139 : i32
      %sign3A_141 = arith.constant 0 : i32
      %sign3A_142 = arith.cmpi sgt, %jit3A_132, %sign3A_141 : i32
      %sign3A_143 = arith.extui %sign3A_142 : i1 to i32
      %sign3A_144 = arith.constant 0 : i32
      %sign3A_145 = arith.cmpi slt, %jit3A_132, %sign3A_144 : i32
      %sign3A_146 = arith.extui %sign3A_145 : i1 to i32
      %sign3A_147 = arith.subi %sign3A_143, %sign3A_146 : i32
      %ne3A_148 = arith.cmpi ne, %sign3A_140, %sign3A_147 : i32
      %rem3A_149 = arith.remsi %add3A_113, %jit3A_132 : i32
      %ne3A_150 = arith.constant 0 : i32
      %ne3A_151 = arith.cmpi ne, %rem3A_149, %ne3A_150 : i32
      %and3A_152 = arith.andi %ne3A_148, %ne3A_151 : i1
      %sub3A_153 = arith.constant 1 : i32
      %sub3A_154 = arith.subi %div3A_133, %sub3A_153 : i32
      %select_n3A_155 = arith.select %and3A_152, %sub3A_154, %div3A_133 : i32
      %jit3A_156 = arith.constant 4 : i32
      %eq3A_157 = arith.constant 0 : i32
      %eq3A_158 = arith.cmpi eq, %jit3A_156, %eq3A_157 : i32
      %jit3A_159 = arith.constant 1 : i32
      %select_n3A_160 = arith.select %eq3A_158, %jit3A_159, %jit3A_156 : i32
      %rem3A_161 = arith.remsi %add3A_113, %select_n3A_160 : i32
      %ne3A_162 = arith.constant 0 : i32
      %ne3A_163 = arith.cmpi ne, %rem3A_161, %ne3A_162 : i32
      %lt3A_164 = arith.constant 0 : i32
      %lt3A_165 = arith.cmpi slt, %rem3A_161, %lt3A_164 : i32
      %lt3A_166 = arith.constant 0 : i32
      %lt3A_167 = arith.cmpi slt, %select_n3A_160, %lt3A_166 : i32
      %ne3A_168 = arith.xori %lt3A_165, %lt3A_167 : i1
      %and3A_169 = arith.andi %ne3A_168, %ne3A_163 : i1
      %add3A_170 = arith.addi %rem3A_161, %select_n3A_160 : i32
      %select_n3A_171 = arith.select %and3A_169, %add3A_170, %rem3A_161 : i32
      %mul3A_172 = arith.constant 8 : i32
      %mul3A_173 = arith.muli %select_n3A_171, %mul3A_172 : i32
      %dma_start3A = tpu.memref_slice %arg6[%select_n3A_131] : memref<9x!tpu.dma_semaphore, #tpu.memory_space<semaphore_mem>> -> memref<1x!tpu.dma_semaphore, #tpu.memory_space<semaphore_mem>>
      %dma_start3A_174 = tpu.memref_squeeze %dma_start3A : memref<1x!tpu.dma_semaphore, #tpu.memory_space<semaphore_mem>> -> memref<!tpu.dma_semaphore, #tpu.memory_space<semaphore_mem>>
      %dma_start3A_175 = arith.constant 0 : i32
      %dma_start3A_176 = arith.constant 0 : i32
      %dma_start3A_177 = arith.constant 0 : i32
      %dma_start3A_178 = tpu.memref_slice %arg4[%select_n3A_131, %dma_start3A_175, %dma_start3A_176, %dma_start3A_177] : memref<9x313x8x128xf32, #tpu.memory_space<vmem>> -> memref<1x313x8x128xf32, #tpu.memory_space<vmem>>
      %dma_start3A_179 = tpu.memref_squeeze %dma_start3A_178 : memref<1x313x8x128xf32, #tpu.memory_space<vmem>> -> memref<313x8x128xf32, #tpu.memory_space<vmem>>
      %dma_start3A_180 = arith.constant 0 : i32
      %dma_start3A_181 = arith.constant 0 : i32
      %dma_start3A_182 = tpu.memref_slice %arg1[%select_n3A_155, %dma_start3A_180, %mul3A_173, %dma_start3A_181] : memref<64x313x32x128xf32, #tpu.memory_space<any>> -> memref<1x313x8x128xf32, #tpu.memory_space<any>>
      %dma_start3A_183 = tpu.memref_squeeze %dma_start3A_182 : memref<1x313x8x128xf32, #tpu.memory_space<any>> -> memref<313x8x128xf32, #tpu.memory_space<any>>
      tpu.enqueue_dma source(%dma_start3A_183 : memref<313x8x128xf32, #tpu.memory_space<any>>) target(%dma_start3A_179 : memref<313x8x128xf32, #tpu.memory_space<vmem>>) target_semaphore(%dma_start3A_174 : memref<!tpu.dma_semaphore, #tpu.memory_space<semaphore_mem>>)
      %dma_start3A_184 = tpu.memref_slice %arg7[%select_n3A_131] : memref<9x!tpu.dma_semaphore, #tpu.memory_space<semaphore_mem>> -> memref<1x!tpu.dma_semaphore, #tpu.memory_space<semaphore_mem>>
      %dma_start3A_185 = tpu.memref_squeeze %dma_start3A_184 : memref<1x!tpu.dma_semaphore, #tpu.memory_space<semaphore_mem>> -> memref<!tpu.dma_semaphore, #tpu.memory_space<semaphore_mem>>
      %dma_start3A_186 = arith.constant 0 : i32
      %dma_start3A_187 = arith.constant 0 : i32
      %dma_start3A_188 = arith.constant 0 : i32
      %dma_start3A_189 = tpu.memref_slice %arg5[%select_n3A_131, %dma_start3A_186, %dma_start3A_187, %dma_start3A_188] : memref<9x313x8x128xf32, #tpu.memory_space<vmem>> -> memref<1x313x8x128xf32, #tpu.memory_space<vmem>>
      %dma_start3A_190 = tpu.memref_squeeze %dma_start3A_189 : memref<1x313x8x128xf32, #tpu.memory_space<vmem>> -> memref<313x8x128xf32, #tpu.memory_space<vmem>>
      %dma_start3A_191 = arith.constant 0 : i32
      %dma_start3A_192 = arith.constant 0 : i32
      %dma_start3A_193 = tpu.memref_slice %arg2[%select_n3A_155, %dma_start3A_191, %mul3A_173, %dma_start3A_192] : memref<64x313x32x128xf32, #tpu.memory_space<any>> -> memref<1x313x8x128xf32, #tpu.memory_space<any>>
      %dma_start3A_194 = tpu.memref_squeeze %dma_start3A_193 : memref<1x313x8x128xf32, #tpu.memory_space<any>> -> memref<313x8x128xf32, #tpu.memory_space<any>>
      tpu.enqueue_dma source(%dma_start3A_194 : memref<313x8x128xf32, #tpu.memory_space<any>>) target(%dma_start3A_190 : memref<313x8x128xf32, #tpu.memory_space<vmem>>) target_semaphore(%dma_start3A_185 : memref<!tpu.dma_semaphore, #tpu.memory_space<semaphore_mem>>) {priority = 1 : i32}
    } else {
    }
    %jit3A = arith.constant 9 : i32
    %eq3A_7 = arith.constant 0 : i32
    %eq3A_8 = arith.cmpi eq, %jit3A, %eq3A_7 : i32
    %jit3A_9 = arith.constant 1 : i32
    %select_n3A = arith.select %eq3A_8, %jit3A_9, %jit3A : i32
    %rem3A = arith.remsi %arg0, %select_n3A : i32
    %ne3A = arith.constant 0 : i32
    %ne3A_10 = arith.cmpi ne, %rem3A, %ne3A : i32
    %lt3A_11 = arith.constant 0 : i32
    %lt3A_12 = arith.cmpi slt, %rem3A, %lt3A_11 : i32
    %lt3A_13 = arith.constant 0 : i32
    %lt3A_14 = arith.cmpi slt, %select_n3A, %lt3A_13 : i32
    %ne3A_15 = arith.xori %lt3A_12, %lt3A_14 : i1
    %and3A = arith.andi %ne3A_15, %ne3A_10 : i1
    %add3A_16 = arith.addi %rem3A, %select_n3A : i32
    %select_n3A_17 = arith.select %and3A, %add3A_16, %rem3A : i32
    %jit3A_18 = arith.constant 4 : i32
    %div3A = arith.divsi %arg0, %jit3A_18 : i32
    %sign3A = arith.constant 0 : i32
    %sign3A_19 = arith.cmpi sgt, %arg0, %sign3A : i32
    %sign3A_20 = arith.extui %sign3A_19 : i1 to i32
    %sign3A_21 = arith.constant 0 : i32
    %sign3A_22 = arith.cmpi slt, %arg0, %sign3A_21 : i32
    %sign3A_23 = arith.extui %sign3A_22 : i1 to i32
    %sign3A_24 = arith.subi %sign3A_20, %sign3A_23 : i32
    %sign3A_25 = arith.constant 0 : i32
    %sign3A_26 = arith.cmpi sgt, %jit3A_18, %sign3A_25 : i32
    %sign3A_27 = arith.extui %sign3A_26 : i1 to i32
    %sign3A_28 = arith.constant 0 : i32
    %sign3A_29 = arith.cmpi slt, %jit3A_18, %sign3A_28 : i32
    %sign3A_30 = arith.extui %sign3A_29 : i1 to i32
    %sign3A_31 = arith.subi %sign3A_27, %sign3A_30 : i32
    %ne3A_32 = arith.cmpi ne, %sign3A_24, %sign3A_31 : i32
    %rem3A_33 = arith.remsi %arg0, %jit3A_18 : i32
    %ne3A_34 = arith.constant 0 : i32
    %ne3A_35 = arith.cmpi ne, %rem3A_33, %ne3A_34 : i32
    %and3A_36 = arith.andi %ne3A_32, %ne3A_35 : i1
    %sub3A = arith.constant 1 : i32
    %sub3A_37 = arith.subi %div3A, %sub3A : i32
    %select_n3A_38 = arith.select %and3A_36, %sub3A_37, %div3A : i32
    %jit3A_39 = arith.constant 4 : i32
    %eq3A_40 = arith.constant 0 : i32
    %eq3A_41 = arith.cmpi eq, %jit3A_39, %eq3A_40 : i32
    %jit3A_42 = arith.constant 1 : i32
    %select_n3A_43 = arith.select %eq3A_41, %jit3A_42, %jit3A_39 : i32
    %rem3A_44 = arith.remsi %arg0, %select_n3A_43 : i32
    %ne3A_45 = arith.constant 0 : i32
    %ne3A_46 = arith.cmpi ne, %rem3A_44, %ne3A_45 : i32
    %lt3A_47 = arith.constant 0 : i32
    %lt3A_48 = arith.cmpi slt, %rem3A_44, %lt3A_47 : i32
    %lt3A_49 = arith.constant 0 : i32
    %lt3A_50 = arith.cmpi slt, %select_n3A_43, %lt3A_49 : i32
    %ne3A_51 = arith.xori %lt3A_48, %lt3A_50 : i1
    %and3A_52 = arith.andi %ne3A_51, %ne3A_46 : i1
    %add3A_53 = arith.addi %rem3A_44, %select_n3A_43 : i32
    %select_n3A_54 = arith.select %and3A_52, %add3A_53, %rem3A_44 : i32
    %mul3A = arith.constant 8 : i32
    %mul3A_55 = arith.muli %select_n3A_54, %mul3A : i32
    %dma_wait3A = tpu.memref_slice %arg6[%select_n3A_17] : memref<9x!tpu.dma_semaphore, #tpu.memory_space<semaphore_mem>> -> memref<1x!tpu.dma_semaphore, #tpu.memory_space<semaphore_mem>>
    %dma_wait3A_56 = tpu.memref_squeeze %dma_wait3A : memref<1x!tpu.dma_semaphore, #tpu.memory_space<semaphore_mem>> -> memref<!tpu.dma_semaphore, #tpu.memory_space<semaphore_mem>>
    %dma_wait3A_57 = arith.constant 0 : i32
    %dma_wait3A_58 = arith.constant 0 : i32
    %dma_wait3A_59 = arith.constant 0 : i32
    %dma_wait3A_60 = tpu.memref_slice %arg4[%select_n3A_17, %dma_wait3A_57, %dma_wait3A_58, %dma_wait3A_59] : memref<9x313x8x128xf32, #tpu.memory_space<vmem>> -> memref<1x313x8x128xf32, #tpu.memory_space<vmem>>
    %dma_wait3A_61 = tpu.memref_squeeze %dma_wait3A_60 : memref<1x313x8x128xf32, #tpu.memory_space<vmem>> -> memref<313x8x128xf32, #tpu.memory_space<vmem>>
    %dma_wait3A_62 = arith.constant 0 : i32
    %dma_wait3A_63 = arith.constant 0 : i32
    %dma_wait3A_64 = tpu.memref_slice %arg1[%select_n3A_38, %dma_wait3A_62, %mul3A_55, %dma_wait3A_63] : memref<64x313x32x128xf32, #tpu.memory_space<any>> -> memref<1x313x8x128xf32, #tpu.memory_space<any>>
    %dma_wait3A_65 = tpu.memref_squeeze %dma_wait3A_64 : memref<1x313x8x128xf32, #tpu.memory_space<any>> -> memref<313x8x128xf32, #tpu.memory_space<any>>
    tpu.wait_dma2 semaphore(%dma_wait3A_56 : memref<!tpu.dma_semaphore, #tpu.memory_space<semaphore_mem>>) src(%dma_wait3A_65 : memref<313x8x128xf32, #tpu.memory_space<any>>) dst(%dma_wait3A_61 : memref<313x8x128xf32, #tpu.memory_space<vmem>>)
    %dma_wait3A_66 = tpu.memref_slice %arg7[%select_n3A_17] : memref<9x!tpu.dma_semaphore, #tpu.memory_space<semaphore_mem>> -> memref<1x!tpu.dma_semaphore, #tpu.memory_space<semaphore_mem>>
    %dma_wait3A_67 = tpu.memref_squeeze %dma_wait3A_66 : memref<1x!tpu.dma_semaphore, #tpu.memory_space<semaphore_mem>> -> memref<!tpu.dma_semaphore, #tpu.memory_space<semaphore_mem>>
    %dma_wait3A_68 = arith.constant 0 : i32
    %dma_wait3A_69 = arith.constant 0 : i32
    %dma_wait3A_70 = arith.constant 0 : i32
    %dma_wait3A_71 = tpu.memref_slice %arg5[%select_n3A_17, %dma_wait3A_68, %dma_wait3A_69, %dma_wait3A_70] : memref<9x313x8x128xf32, #tpu.memory_space<vmem>> -> memref<1x313x8x128xf32, #tpu.memory_space<vmem>>
    %dma_wait3A_72 = tpu.memref_squeeze %dma_wait3A_71 : memref<1x313x8x128xf32, #tpu.memory_space<vmem>> -> memref<313x8x128xf32, #tpu.memory_space<vmem>>
    %dma_wait3A_73 = arith.constant 0 : i32
    %dma_wait3A_74 = arith.constant 0 : i32
    %dma_wait3A_75 = tpu.memref_slice %arg2[%select_n3A_38, %dma_wait3A_73, %mul3A_55, %dma_wait3A_74] : memref<64x313x32x128xf32, #tpu.memory_space<any>> -> memref<1x313x8x128xf32, #tpu.memory_space<any>>
    %dma_wait3A_76 = tpu.memref_squeeze %dma_wait3A_75 : memref<1x313x8x128xf32, #tpu.memory_space<any>> -> memref<313x8x128xf32, #tpu.memory_space<any>>
    tpu.wait_dma2 semaphore(%dma_wait3A_67 : memref<!tpu.dma_semaphore, #tpu.memory_space<semaphore_mem>>) src(%dma_wait3A_76 : memref<313x8x128xf32, #tpu.memory_space<any>>) dst(%dma_wait3A_72 : memref<313x8x128xf32, #tpu.memory_space<vmem>>)
    %get3A = arith.index_cast %select_n3A_17 : i32 to index
    %get3A_77 = arith.constant 0 : index
    %get3A_78 = arith.constant 0 : index
    %get3A_79 = arith.constant 0 : index
    %get3A_80 = vector.load %arg4[%get3A, %get3A_77, %get3A_78, %get3A_79] : memref<9x313x8x128xf32, #tpu.memory_space<vmem>>, vector<1x313x8x128xf32>
    %get3A_81 = vector.shape_cast %get3A_80 : vector<1x313x8x128xf32> to vector<313x8x128xf32>
    %get3A_82 = arith.index_cast %select_n3A_17 : i32 to index
    %get3A_83 = arith.constant 0 : index
    %get3A_84 = arith.constant 0 : index
    %get3A_85 = arith.constant 0 : index
    %get3A_86 = vector.load %arg5[%get3A_82, %get3A_83, %get3A_84, %get3A_85] : memref<9x313x8x128xf32, #tpu.memory_space<vmem>>, vector<1x313x8x128xf32>
    %get3A_87 = vector.shape_cast %get3A_86 : vector<1x313x8x128xf32> to vector<313x8x128xf32>
    %exp3A = math.exp %get3A_81 : vector<313x8x128xf32>
    %reduce_sum3A = arith.constant dense<0.000000e+00> : vector<8x128xf32>
    %reduce_sum3A_88 = vector.multi_reduction <add>, %exp3A, %reduce_sum3A [0] : vector<313x8x128xf32> to vector<8x128xf32>
    %reduce_sum3A_89 = arith.constant dense<0.000000e+00> : vector<8x128xf32>
    %reduce_sum3A_90 = vector.multi_reduction <add>, %get3A_87, %reduce_sum3A_89 [0] : vector<313x8x128xf32> to vector<8x128xf32>
    %mul3A_91 = arith.mulf %get3A_87, %get3A_81 : vector<313x8x128xf32>
    %reduce_sum3A_92 = arith.constant dense<0.000000e+00> : vector<8x128xf32>
    %reduce_sum3A_93 = vector.multi_reduction <add>, %mul3A_91, %reduce_sum3A_92 [0] : vector<313x8x128xf32> to vector<8x128xf32>
    %log3A = math.log %reduce_sum3A_88 : vector<8x128xf32>
    %mul3A_94 = arith.mulf %log3A, %reduce_sum3A_90 : vector<8x128xf32>
    %sub3A_95 = arith.subf %mul3A_94, %reduce_sum3A_93 : vector<8x128xf32>
    %reduce_sum3A_96 = vector.shape_cast %sub3A_95 : vector<8x128xf32> to vector<1x8x128xf32>
    %reduce_sum3A_97 = arith.constant dense<0.000000e+00> : vector<1xf32>
    %reduce_sum3A_98 = vector.multi_reduction <add>, %reduce_sum3A_96, %reduce_sum3A_97 [1, 2] : vector<1x8x128xf32> to vector<1xf32>
    %reduce_sum3A_99 = vector.shape_cast %reduce_sum3A_98 : vector<1xf32> to vector<1x1x1xf32>
    %reduce_sum3A_100 = vector.extract %reduce_sum3A_99[0, 0, 0] : f32 from vector<1x1x1xf32>
    %eq3A_101 = arith.constant 0 : i32
    %eq3A_102 = arith.cmpi eq, %arg0, %eq3A_101 : i32
    %convert_element_type3A_103 = arith.extui %eq3A_102 : i1 to i32
    %cond3A_104 = arith.constant 0 : i32
    %cond3A_105 = arith.cmpi ne, %convert_element_type3A_103, %cond3A_104 : i32
    scf.if %cond3A_105 {
      %swap3A_112 = arith.constant 0.000000e+00 : f32
      %swap3A_113 = arith.constant 0 : index
      %swap3A_114 = arith.constant 0 : index
      %swap3A_115 = memref.load %arg3[%swap3A_113, %swap3A_114] : memref<1x1xf32, #tpu.memory_space<smem>>
      memref.store %swap3A_112, %arg3[%swap3A_113, %swap3A_114] : memref<1x1xf32, #tpu.memory_space<smem>>
    } else {
    }
    %get3A_106 = arith.constant 0 : index
    %get3A_107 = arith.constant 0 : index
    %get3A_108 = memref.load %arg3[%get3A_106, %get3A_107] : memref<1x1xf32, #tpu.memory_space<smem>>
    %add3A_109 = arith.addf %get3A_108, %reduce_sum3A_100 : f32
    %swap3A = arith.constant 0 : index
    %swap3A_110 = arith.constant 0 : index
    %swap3A_111 = memref.load %arg3[%swap3A, %swap3A_110] : memref<1x1xf32, #tpu.memory_space<smem>>
    memref.store %add3A_109, %arg3[%swap3A, %swap3A_110] : memref<1x1xf32, #tpu.memory_space<smem>>
    return
  }
  func.func @transform_2(%arg0: i32) -> (i32, i32) {
    %c0_i32 = arith.constant 0 : i32
    %c0_i32_0 = arith.constant 0 : i32
    %c0_i32_1 = arith.constant 0 : i32
    return %c0_i32, %c0_i32_0 : i32, i32
  }
}

module attributes {stable_mosaic.version = 14 : i64} {
  func.func @_fin_body(%arg0: i32, %arg1: memref<16x3x32x128xf32, #tpu.memory_space<vmem>>, %arg2: memref<16x1x32x128xf32, #tpu.memory_space<vmem>>, %arg3: memref<16x1x32x128xf32, #tpu.memory_space<vmem>>, %arg4: memref<1x1xf32, #tpu.memory_space<smem>>) attributes {dimension_semantics = [#tpu.dimension_semantics<arbitrary>], iteration_bounds = array<i64: 1>, scalar_prefetch = 0 : i64, scratch_operands = 0 : i64, tpu.core_type = #tpu.core_type<tc>, window_params = [{pipeline_mode = #tpu.pipeline_mode<synchronous>, transform_indices = @transform_0, window_bounds = array<i64: 16, 3, 32, 128>}, {transform_indices = @transform_1, window_bounds = array<i64: 16, 1, 32, 128>}, {transform_indices = @transform_2, window_bounds = array<i64: 16, 1, 32, 128>}, {transform_indices = @transform_3, window_bounds = array<i64: 1, 1>}]} {
    %get3A = arith.constant 0 : index
    %get3A_0 = arith.constant 0 : index
    %get3A_1 = arith.constant 0 : index
    %get3A_2 = arith.constant 0 : index
    %get3A_3 = vector.load %arg1[%get3A, %get3A_0, %get3A_1, %get3A_2] : memref<16x3x32x128xf32, #tpu.memory_space<vmem>>, vector<16x1x32x128xf32>
    %get3A_4 = vector.shape_cast %get3A_3 : vector<16x1x32x128xf32> to vector<16x32x128xf32>
    %get3A_5 = arith.constant 0 : index
    %get3A_6 = arith.constant 0 : index
    %get3A_7 = arith.constant 0 : index
    %get3A_8 = arith.constant 0 : index
    %get3A_9 = vector.load %arg2[%get3A_5, %get3A_6, %get3A_7, %get3A_8] : memref<16x1x32x128xf32, #tpu.memory_space<vmem>>, vector<16x1x32x128xf32>
    %get3A_10 = vector.shape_cast %get3A_9 : vector<16x1x32x128xf32> to vector<16x32x128xf32>
    %exp3A = math.exp %get3A_10 : vector<16x32x128xf32>
    %add3A = arith.addf %get3A_4, %exp3A : vector<16x32x128xf32>
    %get3A_11 = arith.constant 0 : index
    %get3A_12 = arith.constant 1 : index
    %get3A_13 = arith.constant 0 : index
    %get3A_14 = arith.constant 0 : index
    %get3A_15 = vector.load %arg1[%get3A_11, %get3A_12, %get3A_13, %get3A_14] : memref<16x3x32x128xf32, #tpu.memory_space<vmem>>, vector<16x1x32x128xf32>
    %get3A_16 = vector.shape_cast %get3A_15 : vector<16x1x32x128xf32> to vector<16x32x128xf32>
    %get3A_17 = arith.constant 0 : index
    %get3A_18 = arith.constant 0 : index
    %get3A_19 = arith.constant 0 : index
    %get3A_20 = arith.constant 0 : index
    %get3A_21 = vector.load %arg3[%get3A_17, %get3A_18, %get3A_19, %get3A_20] : memref<16x1x32x128xf32, #tpu.memory_space<vmem>>, vector<16x1x32x128xf32>
    %get3A_22 = vector.shape_cast %get3A_21 : vector<16x1x32x128xf32> to vector<16x32x128xf32>
    %add3A_23 = arith.addf %get3A_16, %get3A_22 : vector<16x32x128xf32>
    %get3A_24 = arith.constant 0 : index
    %get3A_25 = arith.constant 2 : index
    %get3A_26 = arith.constant 0 : index
    %get3A_27 = arith.constant 0 : index
    %get3A_28 = vector.load %arg1[%get3A_24, %get3A_25, %get3A_26, %get3A_27] : memref<16x3x32x128xf32, #tpu.memory_space<vmem>>, vector<16x1x32x128xf32>
    %get3A_29 = vector.shape_cast %get3A_28 : vector<16x1x32x128xf32> to vector<16x32x128xf32>
    %get3A_30 = arith.constant 0 : index
    %get3A_31 = arith.constant 0 : index
    %get3A_32 = arith.constant 0 : index
    %get3A_33 = arith.constant 0 : index
    %get3A_34 = vector.load %arg3[%get3A_30, %get3A_31, %get3A_32, %get3A_33] : memref<16x1x32x128xf32, #tpu.memory_space<vmem>>, vector<16x1x32x128xf32>
    %get3A_35 = vector.shape_cast %get3A_34 : vector<16x1x32x128xf32> to vector<16x32x128xf32>
    %get3A_36 = arith.constant 0 : index
    %get3A_37 = arith.constant 0 : index
    %get3A_38 = arith.constant 0 : index
    %get3A_39 = arith.constant 0 : index
    %get3A_40 = vector.load %arg2[%get3A_36, %get3A_37, %get3A_38, %get3A_39] : memref<16x1x32x128xf32, #tpu.memory_space<vmem>>, vector<16x1x32x128xf32>
    %get3A_41 = vector.shape_cast %get3A_40 : vector<16x1x32x128xf32> to vector<16x32x128xf32>
    %mul3A = arith.mulf %get3A_35, %get3A_41 : vector<16x32x128xf32>
    %add3A_42 = arith.addf %get3A_29, %mul3A : vector<16x32x128xf32>
    %log3A = math.log %add3A : vector<16x32x128xf32>
    %mul3A_43 = arith.mulf %log3A, %add3A_23 : vector<16x32x128xf32>
    %sub3A = arith.subf %mul3A_43, %add3A_42 : vector<16x32x128xf32>
    %reduce_sum3A = vector.shape_cast %sub3A : vector<16x32x128xf32> to vector<1x16x32x128xf32>
    %reduce_sum3A_44 = arith.constant dense<0.000000e+00> : vector<1xf32>
    %reduce_sum3A_45 = vector.multi_reduction <add>, %reduce_sum3A, %reduce_sum3A_44 [1, 2, 3] : vector<1x16x32x128xf32> to vector<1xf32>
    %reduce_sum3A_46 = vector.shape_cast %reduce_sum3A_45 : vector<1xf32> to vector<1x1x1x1xf32>
    %reduce_sum3A_47 = vector.extract %reduce_sum3A_46[0, 0, 0, 0] : f32 from vector<1x1x1x1xf32>
    %swap3A = arith.constant 0 : index
    %swap3A_48 = arith.constant 0 : index
    %swap3A_49 = memref.load %arg4[%swap3A, %swap3A_48] : memref<1x1xf32, #tpu.memory_space<smem>>
    memref.store %reduce_sum3A_47, %arg4[%swap3A, %swap3A_48] : memref<1x1xf32, #tpu.memory_space<smem>>
    return
  }
  func.func @transform_0(%arg0: i32) -> (i32, i32, i32, i32) {
    %c0_i32 = arith.constant 0 : i32
    %c0_i32_0 = arith.constant 0 : i32
    %c0_i32_1 = arith.constant 0 : i32
    %c0_i32_2 = arith.constant 0 : i32
    %c0_i32_3 = arith.constant 0 : i32
    return %c0_i32, %c0_i32_0, %c0_i32_1, %c0_i32_2 : i32, i32, i32, i32
  }
  func.func @transform_1(%arg0: i32) -> (i32, i32, i32, i32) {
    %c3_i32 = arith.constant 3 : i32
    %c312_i32 = arith.constant 312 : i32
    %c0_i32 = arith.constant 0 : i32
    %c0_i32_0 = arith.constant 0 : i32
    %c0_i32_1 = arith.constant 0 : i32
    return %c3_i32, %c312_i32, %c0_i32, %c0_i32_0 : i32, i32, i32, i32
  }
  func.func @transform_2(%arg0: i32) -> (i32, i32, i32, i32) {
    %c3_i32 = arith.constant 3 : i32
    %c312_i32 = arith.constant 312 : i32
    %c0_i32 = arith.constant 0 : i32
    %c0_i32_0 = arith.constant 0 : i32
    %c0_i32_1 = arith.constant 0 : i32
    return %c3_i32, %c312_i32, %c0_i32, %c0_i32_0 : i32, i32, i32, i32
  }
  func.func @transform_3(%arg0: i32) -> (i32, i32) {
    %c0_i32 = arith.constant 0 : i32
    %c0_i32_0 = arith.constant 0 : i32
    %c0_i32_1 = arith.constant 0 : i32
    return %c0_i32, %c0_i32_0 : i32, i32
  }
}

</mosaic_0001>

<sc_bundles>
// kernel: kernel.5.cloned.1.call-start
scs
__scs_entry_jumppad:
0x0: {  	(pc) =	sbr.rel $0x88, $3  }
0x1: {  	(tag) =	ssettag $0x0;
	lr =	simm.s32 $0x1  }
0x2: {  	[smem:$0x3F9F] =	sst lr;
	_ =	strace $0xD0000000  }
0x3: {  	_ = 	snop  }
0x4: {  	_ = 	snop  }
0x5: {  	_ = 	snop  }
0x6: {  	_ = 	snop  }
0x7: {  	_ = 	snop  }
__scs_overlays_trampoline_lowered:
0x8: {  	[smem:$0x3FAE] =	sst s0  }
0x9: {  	[smem:$0x3FAF] =	sst s1  }
0xa: {  	[smem:$0x3FB0] =	sst s2  }
0xb: {  	[smem:$0x3FB1] =	sst s3  }
0xc: {  	[smem:$0x3FB2] =	sst s4  }
0xd: {  	[smem:$0x3FB3] =	sst s5  }
0xe: {  	[smem:$0x3FB4] =	sst s6  }
0xf: {  	[smem:$0x3FB5] =	sst s7  }
0x10: {  	[smem:$0x3FB6] =	sst s8  }
0x11: {  	[smem:$0x3FB7] =	sst s9;
	s0 =	simm.s32 @!p0 $0x0  }
0x12: {  	s1 =	sld [smem:$0x3F9D];
	s0 =	simm.s32 @p0 $0x1  }
0x13: {  	[smem:$0x3FB8] =	sst s0;
	s0 =	simm.s32 @!p1 $0x0  }
0x14: {  	s2 =	sld [smem:$0x3F9C];
	s0 =	simm.s32 @p1 $0x1  }
0x15: {  	[smem:$0x3FB9] =	sst s0;
	s0 =	simm.s32 @!p2 $0x0  }
0x16: {  	s3 =	sld [smem:$0x3FDB];
	s0 =	simm.s32 @p2 $0x1  }
0x17: {  	s4 =	simm.s32 $0x1BF5;
	[smem:$0x3FBB] =	sst s0  }
0x18: {  	s0 =	sld [smem:$0x3F9E];
	_ =	swait.ge [sflag:s4], $0x0  }
0x19: {  	s7 =	sld [smem:$0x3F9F]  }
0x1a: {  	s8 =	sadd.s32 $0xFFFFE003, lr  }
0x1b: {  	s9 =	sadd.s32 $0xFFFFFEF7, lr;
	s5 =	simm.s32 $0xFFFFFFFF;
	p2 =	slt.u32 s8, $0xFFFFF086  }
0x1c: {  	p1 =	slt.u32 s9, $0xF7A;
	s5 =	simm.s32 @!p2 $0x0  }
0x1d: {  	s5 =	simm.s32 @p1 $0x1;
	p0 =	seq.s32 s7, s2  }
0x1e: {  	s7 =	smul.u32 @!p0 $0xF7A, s2;
	p2 =	seq.s32 @!p0 s5, $0x0  }
0x1f: {  	s9 =	smul.u32 $0xF7A, s1;
	s8 =	simm.s32 @!p0 $0x1BF5;
	p2 =	por !p2, p0  }
0x20: {  	[sflag:s8] =	ssyncset.s32 @!p0 $0xFFFFF086;
	s6 =	sadd.s32 @!p0 s3, s7;
	s7 =	simm.s32 @!p0 $0x108  }
0x21: {  	s3 =	sadd.s32 s3, s9;
	s6 =	sadd.s32 @!p0 $0x88, s6;
	s7 =	simm.s32 @p2 $0x1082  }
0x22: {  	[simem:s7], [sflag:s8] =	dma.local @!p0 [hbm:s6], $0xF7A  }
0x23: {  	s9 =	sor.u32 $0xD0000000, s2;
	s6 =	simm.s32 $0x108;
	_ =	swait.ge @!p0 [sflag:s8], $0x0  }
0x24: {  	s3 =	sadd.s32 $0x88, s3;
	s6 =	simm.s32 @!p1 $0x1082;
	[sflag:s4] =	ssyncset.s32 $0xFFFFF086  }
0x25: {  	[simem:s6], [sflag:s4] =	dma.local [hbm:s3], $0xF7A  }
0x26: {  	[smem:$0x3F9F] =	sst s1;
	(tag) =	ssettag s2;
	_ =	strace s9  }
0x27: {  	s1 =	sld [smem:$0x3FAF]  }
0x28: {  	s2 =	sld [smem:$0x3FB0]  }
0x29: {  	s4 =	sld [smem:$0x3FB2]  }
0x2a: {  	p0 =	seq.s32 s5, $0x0;
	s5 =	sld [smem:$0x3FB3]  }
0x2b: {  	s6 =	sld [smem:$0x3FB4]  }
0x2c: {  	s7 =	sld [smem:$0x3FB5]  }
0x2d: {  	s3 =	simm.s32 $0x108;
	s8 =	sld [smem:$0x3FB6]  }
0x2e: {  	s3 =	simm.s32 @!p0 $0x1082;
	s9 =	sld [smem:$0x3FB7]  }
0x2f: {  	lr =	sadd.s32 s0, s3;
	s0 =	sld [smem:$0x3FAE]  }
0x30: {  	s3 =	sld [smem:$0x3FB1]  }
0x31: {  	[smem:$0x3FBA] =	sst s10  }
0x32: {  	s10 =	sld [smem:$0x3FB8];
	_ =	sdelay $0x3  }
0x33: {  	p0 =	seq.s32 s10, $0x1;
	s10 =	sld [smem:$0x3FBA];
	_ =	sdelay $0x3  }
0x34: {  	[smem:$0x3FBA] =	sst s10  }
0x35: {  	s10 =	sld [smem:$0x3FB9];
	_ =	sdelay $0x3  }
0x36: {  	p1 =	seq.s32 s10, $0x1;
	s10 =	sld [smem:$0x3FBA];
	_ =	sdelay $0x3  }
0x37: {  	[smem:$0x3FBA] =	sst s10  }
0x38: {  	s10 =	sld [smem:$0x3FBB]  }
0x39: {  	_ = 	snop;
	(pc) =	sbr.ind lr, $3  }
0x3a: {  	_ = 	snop  }
0x3b: {  	_ = 	snop  }
0x3c: {  	p2 =	seq.s32 s10, $0x1;
	s10 =	sld [smem:$0x3FBA]  }
0x3d: {  	_ =	shalt  }
0x3e: {  	_ =	shalt  }
0x3f: {  	_ =	shalt  }
0x40: {  	_ =	shalt  }
0x41: {  	_ =	shalt  }
0x42: {  	_ =	shalt  }
0x43: {  	_ =	shalt  }
0x44: {  	_ =	shalt  }
0x45: {  	_ =	shalt  }
0x46: {  	_ =	shalt  }
0x47: {  	_ =	shalt  }
0x48: {  	_ =	shalt  }
0x49: {  	_ =	shalt  }
0x4a: {  	_ =	shalt  }
0x4b: {  	_ =	shalt  }
0x4c: {  	_ =	shalt  }
0x4d: {  	_ =	shalt  }
0x4e: {  	_ =	shalt  }
0x4f: {  	_ =	shalt  }
0x50: {  	_ =	shalt  }
0x51: {  	_ =	shalt  }
0x52: {  	_ =	shalt  }
0x53: {  	_ =	shalt  }
0x54: {  	_ =	shalt  }
0x55: {  	_ =	shalt  }
0x56: {  	_ =	shalt  }
0x57: {  	_ =	shalt  }
0x58: {  	_ =	shalt  }
0x59: {  	_ =	shalt  }
0x5a: {  	_ =	shalt  }
0x5b: {  	_ =	shalt  }
0x5c: {  	_ =	shalt  }
0x5d: {  	_ =	shalt  }
0x5e: {  	_ =	shalt  }
0x5f: {  	_ =	shalt  }
0x60: {  	_ =	shalt  }
0x61: {  	_ =	shalt  }
0x62: {  	_ =	shalt  }
0x63: {  	_ =	shalt  }
0x64: {  	_ =	shalt  }
0x65: {  	_ =	shalt  }
0x66: {  	_ =	shalt  }
0x67: {  	_ =	shalt  }
0x68: {  	_ =	shalt  }
0x69: {  	_ =	shalt  }
0x6a: {  	_ =	shalt  }
0x6b: {  	_ =	shalt  }
0x6c: {  	_ =	shalt  }
0x6d: {  	_ =	shalt  }
0x6e: {  	_ =	shalt  }
0x6f: {  	_ =	shalt  }
0x70: {  	_ =	shalt  }
0x71: {  	_ =	shalt  }
0x72: {  	_ =	shalt  }
0x73: {  	_ =	shalt  }
0x74: {  	_ =	shalt  }
0x75: {  	_ =	shalt  }
0x76: {  	_ =	shalt  }
0x77: {  	_ =	shalt  }
0x78: {  	_ =	shalt  }
0x79: {  	_ =	shalt  }
0x7a: {  	_ =	shalt  }
0x7b: {  	_ =	shalt  }
0x7c: {  	_ =	shalt  }
0x7d: {  	_ =	shalt  }
0x7e: {  	_ =	shalt  }
0x7f: {  	_ =	shalt  }
0x80: {  	_ =	shalt  }
0x81: {  	_ =	shalt  }
0x82: {  	_ =	shalt  }
0x83: {  	_ =	shalt  }
0x84: {  	_ =	shalt  }
0x85: {  	_ =	shalt  }
0x86: {  	_ =	shalt  }
0x87: {  	_ =	shalt  }
.Lfunc_end0:
.L_simem_size_0:
called_computation_lowered:
.L_overlay_start_0:
0x88: {  	s2 =	sld [smem:$0x3FD9]  }
0x89: {  	s3 =	sld [smem:$0x3FFE];
	_ =	sdelay $0x1  }
0x8a: {  	s1 =	srdreg.scid  }
0x8b: {  	s0 =	sand.u32 $0x1, s1  }
0x8c: {  	s16 =	sshll.u32 s0, $0xA;
	s2 =	sadd.s32 s3, s2  }
0x8d: {  	s2 =	sadd.s32 s2, s16  }
0x8e: {  	[smem:$0x3FC6] =	sst s2  }
0x8f: {  	_ = 	snop  }
0x90: {  	(tm) =	ssettm $0x1  }
0x91: {  	s17 =	sld [smem:$0x3FFB];
	_ =	sdelay $0x3  }
0x92: {  	_ =	strace s17  }
0x93: {  	s2 =	sld [smem:$0x3FFC];
	_ =	sdelay $0x3  }
0x94: {  	_ =	strace s2  }
0x95: {  	s2 =	sld [smem:$0x3FFD];
	_ =	sdelay $0x3  }
0x96: {  	_ =	strace s2  }
0x97: {  	_ =	strace $0x8FFFFFFF  }
0x98: {  	s18 =	sld [smem:$0x3FDB];
	_ =	sdelay $0x1  }
0x99: {  	s19 =	simm.s32 $_scs_section_size  }
0x9a: {  	s4 =	simm.s32 $_size__tile_overlayer_lowered;
	s5 =	simm.s32 $_tile_overlayer_lowered  }
0x9b: {  	s22 =	simm.s32 $0x1BFF;
	s21 =	sshll.u32 s5, $0x1;
	s2 =	sadd.s32 s19, s18  }
0x9c: {  	s6 =	simm.s32 $0x0;
	s20 =	sshll.u32 s4, $0x1;
	s4 =	sadd.s32 s21, s2  }
0x9d: {  	[timem:s6], [sflag:s22] =	dma.local [hbm:s4], s20  }
0x9e: {  	_ =	swait.ge [sflag:s22], s20  }
0x9f: {  	s3 =	ssub.s32 $0x0, s20;
	[sflag:s22] =	ssyncset.done $0x0  }
0xa0: {  	[sflag:s22] =	ssyncadd.s32 s3;
	_ =	sdelay $0x1  }
0xa1: {  	s23 =	simm.s32 $0x1B8B  }
0xa2: {  	_ =	swait.ge [sflag:s23], $0x1  }
0xa3: {  	[sflag:s23] =	ssyncset.done $0x0  }
0xa4: {  	s25 =	simm.s32 $0x1B8E;
	s24 =	sld [smem:$0x3FFE];
	[sflag:s23] =	ssyncadd.s32 $0xFFFFFFFF  }
0xa5: {  	s26 =	simm.s32 $execute0_lowered;
	[smem:$0x3FD2] =	sst s25  }
0xa6: {  	s4 =	sshll.u32 s26, $0x1;
	_ =	strace $0x80000046;
	[dreg:$0x1] =	wrdreg $0xFFFFFFFF  }
0xa7: {  	s28 =	simm.s32 $_size_execute0_lowered;
	s2 =	sadd.s32 s2, s4;
	[dreg:$0x0] =	wrdreg $0x0  }
0xa8: {  	s4 =	sshll.u32 s28, $0x1;
	[dreg:$0x2] =	wrdreg s2  }
0xa9: {  	[dreg:$0x3] =	wrdreg s4  }
0xaa: {  	[dreg:$0x4] =	wrdreg $0xC0  }
0xab: {  	_ =	task [dreg:s6], $0x5FFFF  }
0xac: {  	[dreg:$0x1] =	wrdreg $0xFFFFFFFF  }
0xad: {  	[dreg:$0x0] =	wrdreg $0x60  }
0xae: {  	[dreg:$0x2] =	wrdreg s24  }
0xaf: {  	[dreg:$0x3] =	wrdreg $0x9  }
0xb0: {  	_ =	task.clear_ibuf [dreg:s6], $0x4FFFF;
	_ =	strace $0x90000046  }
0xb1: {  	s29 =	simm.s32 $0x9;
	_ =	strace $0x80000051  }
0xb2: {  	_ =	swait.ge [sflag:s29], $0x1  }
0xb3: {  	[sflag:s29] =	ssyncadd.s32 $0xFFFFFFFF  }
0xb4: {  	_ =	strace $0x90000051  }
0xb5: {  	_ =	sfence  }
0xb6: {  	s30 =	sld [smem:$0x0];
	_ =	sdelay $0x2  }
0xb7: {  	s31 =	sshll.u32 s1, $0xD;
	s1 =	sshrl.u32 s1, $0x2  }
0xb8: {  	s3 =	sand.u32 $0x4000, s31;
	s1 =	sadd.s32 s1, s30  }
0xb9: {  	s0 =	sor.u32 s3, s0;
	s1 =	sshll.u32 s1, $0x11  }
0xba: {  	s0 =	sor.u32 s1, s0  }
0xbb: {  	s0 =	sadd.s32 $0x8F2B, s0  }
0xbc: {  	[sflag:s0] =	ssyncadd.remote.s32 $0x1  }
0xbd: {  	_ =	sfence.sel $0xFFFF  }
0xbe: {  	[dreg:$0x0] =	wrdreg $0xFFFFFFFF;
	(pc) =	sbr.abs _section_cstart, $3  }
0xbf: {  	[dreg:$0x1] =	wrdreg $0xFFFFFFFF  }
0xc0: {  	_ =	task.clear_ibuf [dreg:s6], $0x2FFFF;
	_ =	strace $0x9FFFFFFF  }
0xc1: {  	(tm) =	ssettm $0x7FFFFFFF  }
tec
execute0_lowered:
.L_overlay_start_1:
0x0: {  	(tag) =	ssettag $0x1  }
0x1: {  	s0 =	rddreg [dreg:$0x0]  }
0x2: {  	s1 =	srdreg.scid;
	s3 =	simm.s32 $0x0;
	s2 =	stileid.u32  }
0x3: {  	s10 =	simm.s32 $0x80;
	s11 =	simm.s32 $0x8000;
	s12 =	simm.s32 $0x6800  }
0x4: {  	s13 =	simm.s32 $0x0;
	s1 =	sand.u32 $0x1, s1;
	[smem:$0x7FF] =	sst s3  }
0x5: {  	s4 =	sshll.u32 s2, $0x3;
	s5 =	sadd.s32 $0x4E40400, s0;
	s30 =	sshll.u32 s1, $0x7  }
0x6: {  	_ =	strace $0x80000047;
	s1 =	ssub.s32 $0x2, s1;
	s3 =	sor.u32 s4, s30  }
0x7: {  	s4 =	sadd.s32 $0x400, s0;
	s7 =	sshrl.u32 s1, $0x1;
	s6 =	sshll.u32 s3, $0x4  }
0x8: {  	s31 =	ssub.s32 s1, s7;
	s8 =	sor.u32 $0x3AB0000, s6;
	s6 =	sadd.s32 $0x9C80400, s0  }
0x9: {  	s9 =	smax.u32 s31, $0x1;
	s7 =	sadd.s32 s4, s8;
	s8 =	sadd.s32 s5, s8  }
.LBB2_1:
0xa: {  	_ =	strace $0x80000048  }
0xb: {  	s0 =	simm.s32 $0x0;
	s14 =	simm.s32 $0x0;
	s24 =	simm.s32 $0x0  }
0xc: {  	s23 =	simm.s32 $0x0;
	s15 =	simm.s32 $0x0;
	s16 =	simm.s32 $0x0  }
0xd: {  	[tilespmem:s0], [sflag:$0x1] =	stream.strided.gather [hbm4b:s7+s10], $0x3400, s11, s10, $0x200038;
	[tilespmem:$0xD300] =	vst v63  }
0xe: {  	s17 =	simm.s32 $0x0;
	s18 =	simm.s32 $0x1;
	s19 =	simm.s32 $0x0  }
0xf: {  	[tilespmem:s12], [sflag:$0x3] =	stream.strided.gather [hbm4b:s8+s10], $0x3400, s11, s10, $0x200038;
	[tilespmem:$0xD300] =	vst v63  }
0x10: {  	s25 =	simm.s32 $0x1;
	s20 =	simm.s32 $0x0;
	_ =	strace $0x90000048  }
.LBB2_2:
0x11: {  	s28 =	smov.u32 s14;
	s14 =	sadd.s32 $0x1, s14  }
0x12: {  	s0 =	simm.s32 $0x1;
	p0 =	seq.s32 s14, $0x3  }
0x13: {  	s0 =	simm.s32 @!p0 $0x0  }
0x14: {  	s21 =	sadd.s32 s0, s24  }
0x15: {  	s0 =	simm.s32 $0x1;
	p1 =	seq.s32 s21, $0x8  }
0x16: {  	s0 =	simm.s32 @!p1 $0x0  }
0x17: {  	s22 =	sadd.s32 s0, s23  }
0x18: {  	p2 =	seq.s32 s22, $0x10  }
0x19: {  	s14 =	simm.s32 @p0 $0x0;
	s22 =	simm.s32 @p2 $0x0  }
0x1a: {  	p0 =	sne.s32 s28, s14;
	s21 =	simm.s32 @p1 $0x0;
	p2 =	sne.s32 s23, s22  }
0x1b: {  	p3 =	sne.s32 s24, s21;
	p0 =	por p0, p2  }
0x1c: {  	p1 =	seq.s32 s20, $0x17F;
	p0 =	por p3, p0  }
0x1d: {  	s0 =	simm.s32 @!p0 $0x0;
	p4 =	por !p0, p1  }
0x1e: {  	s0 =	simm.s32 @p0 $0x1;
	s1 =	smul.u32 @!p4 $0x340000, s14  }
0x1f: {  	s26 =	sshll.u32 @!p4 s21, $0x7;
	[smem:$0x7FD] =	sst s0;
	s0 =	sadd.s32 @!p4 s3, s21  }
0x20: {  	s29 =	smov.u32 s25;
	s26 =	sand.u32 @!p4 $0x380, s26;
	s0 =	sshll.u32 @!p4 s0, $0x7  }
0x21: {  	s25 =	smul.u32 @!p4 $0x9C8000, s22;
	s1 =	sor.u32 @!p4 s1, s26;
	s0 =	sand.u32 @!p4 $0xFFFFFC00, s0  }
0x22: {  	s0 =	sadd.s32 @!p4 s0, s1  }
0x23: {  	s26 =	sand.u32 @!p4 $0x1, s29;
	s0 =	sadd.s32 @!p4 s0, s25  }
0x24: {  	s30 =	simm.s32 @!p4 $0x80;
	s1 =	smul.u32 @!p4 $0xD000, s26;
	s0 =	sadd.s32 @!p4 $0x1D580000, s0  }
0x25: {  	s31 =	simm.s32 @!p4 $0x8000;
	_ =	strace @!p4 $0x80000049;
	s0 =	sshrl.u32 @!p4 s0, $0x3  }
0x26: {  	s25 =	sadd.s32 @!p4 $0x1, s26;
	s1 =	sshrl.u32 @!p4 s1, $0x2;
	s26 =	sadd.s32 @!p4 s4, s0  }
0x27: {  	[tilespmem:s1], [sflag:s25] =	stream.strided.gather @!p4 [hbm4b:s26+s30], $0x3400, s31, s30, $0x200038;
	[tilespmem:$0xD300] =	vst v63  }
0x28: {  	s1 =	sand.u32 @!p4 $0x1, s18  }
0x29: {  	s25 =	smul.u32 @!p4 $0xD000, s1;
	_ =	sdelay $0x1  }
0x2a: {  	s0 =	sadd.s32 @!p4 s5, s0;
	_ =	strace @!p4 $0x90000049;
	s25 =	sshrl.u32 @!p4 s25, $0x2  }
0x2b: {  	s1 =	sadd.s32 @!p4 $0x3, s1;
	_ =	strace @!p4 $0x8000004A;
	s25 =	sadd.s32 @!p4 $0x6800, s25  }
0x2c: {  	[tilespmem:s25], [sflag:s1] =	stream.strided.gather @!p4 [hbm4b:s0+s30], $0x3400, s31, s30, $0x200038;
	[tilespmem:$0xD300] =	vst v63  }
0x2d: {  	s2 =	sand.u32 $0x1, s19;
	_ =	strace @!p4 $0x9000004A  }
0x2e: {  	s25 =	sadd.s32 $0x1, s2;
	_ =	strace $0x8000004B  }
0x2f: {  	_ =	swait.ge [sflag:s25], $0x3400  }
0x30: {  	[sflag:s25] =	ssyncset.done $0x0  }
0x31: {  	[sflag:s25] =	ssyncadd.s32 $0xFFFFCC00  }
0x32: {  	s1 =	sand.u32 $0x1, s17;
	_ =	strace $0x9000004B  }
0x33: {  	s26 =	sadd.s32 $0x3, s1;
	_ =	strace $0x8000004C  }
0x34: {  	_ =	swait.ge [sflag:s26], $0x3400  }
0x35: {  	p6 =	seq.s32 s28, $0x0;
	p0 =	seq.s32 s2, $0x1;
	[sflag:s26] =	ssyncset.done $0x0  }
0x36: {  	s30 =	simm.s32 $0x1;
	[sflag:s26] =	ssyncadd.s32 $0xFFFFCC00;
	s26 =	sand.u32 $0x1, s16  }
0x37: {  	s0 =	simm.s32 $0x3400;
	s2 =	simm.s32 @!p4 $0x1;
	s31 =	smul.u32 $0x600, s26  }
0x38: {  	s30 =	simm.s32 @!p6 $0x0;
	s0 =	simm.s32 @!p0 $0x0;
	p0 =	sne.s32 s28, $0x0  }
0x39: {  	s2 =	simm.s32 @p4 $0x0;
	v0 =	vimm.f32 @!p0 $0.0e+00;
	_ =	strace $0x9000004C;
	s28 =	sshrl.u32 @!p0 s31, $0x2  }
0x3a: {  	s30 =	ssub.s32 s24, s30;
	v1 =	vmov s0;
	s0 =	simm.s32 $0x9C00;
	_ =	strace $0x8000004D;
	[tilespmem:s28+$0xD000] =	vst @!p0 v0  }
0x3b: {  	s2 =	simm.s32 @p1 $0x0;
	p5 =	seq.s32 s30, $0xFFFFFFFF;
	s30 =	simm.s32 $0x1;
	[tilespmem:s28+$0xD080] =	vst @!p0 v0  }
0x3c: {  	s18 =	sadd.s32 s18, s2;
	s25 =	sadd.s32 @!p4 $0x1, s29;
	[tilespmem:s28+$0xD100] =	vst @!p0 v0;
	s28 =	sshrl.u32 s31, $0x2  }
0x3d: {  	s30 =	simm.s32 @!p5 $0x0;
	s25 =	smov.u32 @p4 s29;
	p4 =	sne.s32 s24, $0x7;
	v2 =	vld [tilespmem:s28+$0xD000]  }
0x3e: {  	s30 =	ssub.s32 s23, s30;
	p4 =	por @!p5 p6, p6;
	p0 =	seq.s32 s1, $0x1;
	v0 =	vld [tilespmem:s28+$0xD080]  }
0x3f: {  	s25 =	smov.u32 @p1 s29;
	s1 =	simm.s32 $0x0;
	s0 =	simm.s32 @!p0 $0x6800;
	v3 =	vld [tilespmem:s28+$0xD100]  }
0x40: {  	s31 =	sadd.s32 s3, s24;
	s29 =	sor.u32 $0xD000, s28;
	v5 =	vld.idx.msk [tilespmem:v1+s1+$0x0 ss:$0x1], $0xffff;
	v4 =	vmov s0;
	s0 =	simm.s32 $0x200  }
.LBB2_3:
0x41: {  	p6 =	sne.s32 s0, $0xCE00;
	_ =	sdelay $0x4  }
0x42: {  	v6 =	vmul.f32 $1.442695020e+00, v5;
	_ =	sdelay $0x1  }
0x43: {  	(erf) = vpow2.f32 v6;
	_ =	sdelay $0x2  }
0x44: {  	v6 =	vld.idx.msk [tilespmem:v4+s1+$0x0 ss:$0x1], $0xffff;
	_ =	sdelay $0x5  }
0x45: {  	v0 =	vadd.f32 v0, v6;
	v5 =	vmul.f32 v6, v5;
	v6 =	vpop (erf)  }
0x46: {  	v2 =	vadd.f32 v6, v2  }
.Ltmp0:
0x47: {  	v3 =	vadd.f32 v3, v5;
	(pc) =	sbr.rel @p6 .LBB2_3-.Ltmp0, $4  }
0x48: {  	[tilespmem:s29+$0x0] =	vst v2  }
0x49: {  	[tilespmem:s28+$0xD100] =	vst v3  }
0x4a: {  	s1 =	sshra.s32 s0, $0x2;
	[tilespmem:s28+$0xD080] =	vst v0  }
0x4b: {  	s0 =	sadd.s32 $0x200, s0;
	v5 =	vld.idx.msk [tilespmem:v1+s1+$0x0 ss:$0x1], $0xffff  }
0x4c: {  	_ =	sdelay $0x3  }
0x4d: {  	v1 =	vmul.f32 $1.442695020e+00, v5;
	_ =	sdelay $0x1  }
0x4e: {  	(erf) = vpow2.f32 v1;
	_ =	sdelay $0x3  }
0x4f: {  	v62 =	vld.idx.msk [tilespmem:v4+s1+$0x0 ss:$0x1], $0xffff;
	_ =	sdelay $0x3  }
0x50: {  	p0 =	por p3, p2  }
0x51: {  	p3 =	sne.s32 s23, $0xF;
	p2 =	por p1, p0;
	v4 =	vmul.f32 v62, v5;
	v63 =	vpop (erf)  }
0x52: {  	p0 =	seq.s32 s30, $0xFFFFFFFF;
	s0 =	smul.u32 @p2 $0x18000, s23;
	s1 =	sshll.u32 @p2 s31, $0x7;
	v2 =	vadd.f32 v63, v2  }
0x53: {  	p3 =	por @!p0 p5, p5;
	s1 =	sand.u32 @p2 $0xFFFFFC00, s1;
	v3 =	vadd.f32 v3, v4  }
0x54: {  	s2 =	simm.s32 @p2 $0x80;
	s0 =	sadd.s32 @p2 s0, s1;
	s1 =	sshll.u32 @p2 s24, $0x7;
	v0 =	vadd.f32 v0, v62;
	[tilespmem:s29+$0x0] =	vst v2  }
0x55: {  	p5 =	sne.s32 s20, $0x0;
	p0 =	por p4, p3;
	s1 =	sand.u32 @p2 $0x380, s1;
	[tilespmem:s28+$0xD100] =	vst v3  }
0x56: {  	s23 =	simm.s32 @p2 $0x8000;
	p0 =	por !p5, !p0;
	s0 =	sor.u32 @p2 s1, s0;
	[tilespmem:s28+$0xD080] =	vst v0  }
0x57: {  	p3 =	por !p0, !p0;
	s0 =	sshrl.u32 @p2 s0, $0x3;
	_ =	strace $0x9000004D  }
0x58: {  	s1 =	sadd.s32 @p2 $0x5, s26;
	s0 =	sadd.s32 @p2 s6, s0;
	_ =	strace @p2 $0x8000004E  }
0x59: {  	[hbm4b:s0+s2] =	stream.strided.scatter @p2 [tilespmem:s29], [sflag:s1], $0x180, s23, s2, $0x200038;
	[tilespmem:$0xD300] =	vst v63  }
0x5a: {  	s0 =	sand.u32 @p3 $0x1, s15;
	_ =	strace @p2 $0x9000004E  }
0x5b: {  	s0 =	sadd.s32 @p3 $0x5, s0;
	_ =	strace @p3 $0x8000004F  }
0x5c: {  	_ =	swait.ge @p3 [sflag:s0], $0x180  }
0x5d: {  	[sflag:s0] =	ssyncset.done @p3 $0x0  }
0x5e: {  	[sflag:s0] =	ssyncadd.s32 @p3 $0xFFFFFE80  }
0x5f: {  	_ =	strace @p3 $0x9000004F  }
0x60: {  	s31 =	sld [smem:$0x7FD];
	_ =	sdelay $0x1  }
0x61: {  	s1 =	simm.s32 $0x1  }
0x62: {  	s20 =	sadd.s32 $0x1, s20;
	s1 =	simm.s32 @!p2 $0x0;
	p6 =	seq.s32 s31, $0x1  }
0x63: {  	s16 =	sadd.s32 s1, s16;
	s1 =	simm.s32 $0x1;
	p0 =	por p1, p6  }
0x64: {  	s1 =	simm.s32 @!p0 $0x0;
	p0 =	sne.s32 s20, $0x180  }
.Ltmp1:
0x65: {  	_ = 	snop;
	(pc) =	sbr.rel @p0 .LBB2_2-.Ltmp1, $4  }
0x66: {  	_ = 	snop  }
0x67: {  	s0 =	simm.s32 $0x1  }
0x68: {  	s24 =	smov.u32 s21;
	s23 =	smov.u32 s22;
	s0 =	simm.s32 @!p3 $0x0  }
0x69: {  	s15 =	sadd.s32 s0, s15;
	s19 =	sadd.s32 s1, s19;
	s17 =	sadd.s32 s1, s17  }
0x6a: {  	s13 =	sadd.s32 $0x1, s13  }
0x6b: {  	s0 =	sand.u32 $0x1, s15;
	p0 =	sne.s32 s13, s9  }
.Ltmp2:
0x6c: {  	_ =	strace $0x80000050;
	s0 =	sadd.s32 $0x5, s0;
	(pc) =	sbr.rel @p0 .LBB2_1-.Ltmp2, $4  }
0x6d: {  	_ =	swait.ge [sflag:s0], $0x180  }
0x6e: {  	[sflag:s0] =	ssyncset.done $0x0  }
0x6f: {  	[sflag:s0] =	ssyncadd.s32 $0xFFFFFE80  }
0x70: {  	_ =	strace $0x90000050  }
0x71: {  	_ =	sfence.sel $0x180000  }
0x72: {  	[bflag:$0x0] =	sbarrier.arrive $0xFFFF  }
0x73: {  	_ =	strace $0x90000047  }
0x74: {  	s0 =	stileid.u32;
	[bflag:$0x2] =	sbarrier.arrive $0xFFFF  }
0x75: {  	p0 =	sne.s32 s0, $0x0;
	s0 =	rddreg [dreg:$0x1]  }
0x76: {  	s0 =	sadd.s32 @!p0 $0x100000, s0  }
0x77: {  	[sflag:s0] =	ssyncadd.tile.s32 @!p0 $0x1;
	_ =	shalt  }
.Lfunc_end2:
_tile_overlayer_lowered:
.L_overlay_start_2:
0x78: {  	(tag) =	ssettag $0x2  }
0x79: {  	s0 =	rddreg [dreg:$0x0];
	s2 =	stileid.u32  }
0x7a: {  	s1 =	rddreg [dreg:$0x1];
	p0 =	sne.s32 s2, $0x0  }
0x7b: {  	s3 =	rddreg [dreg:$0x2];
	[bflag:$0x3] =	sbarrier.arrive $0xFFFF;
	s2 =	simm.s32 @!p0 $0x1C01  }
0x7c: {  	[timem:s3], [sflag:s2] =	dma.local @!p0 [hbm:s0], s1  }
0x7d: {  	s0 =	simm.s32 @!p0 $0x1  }
0x7e: {  	_ =	swait.ge @!p0 [sflag:s0], s1  }
0x7f: {  	s1 =	ssub.s32 @!p0 $0x0, s1;
	[sflag:s0] =	ssyncset.done @!p0 $0x0  }
0x80: {  	[sflag:s0] =	ssyncadd.s32 @!p0 s1  }
0x81: {  	[bflag:$0x3] =	sbarrier.arrive $0xFFFF  }
0x82: {  	_ =	shalt  }

</sc_bundles>
